<compile_context>
chip_gen: v7x
topology: tpu7x:2x2x1
jax: 0.10.2.dev20260603
libtpu: 0.0.44.dev20260713+nightly
codegen_flags: <defaults>
</compile_context>

<pallas_src>
import jax
import jax.numpy as jnp
from jax import lax
from jax.experimental import pallas as pl
from jax.experimental.pallas import tpu as pltpu
from jax.experimental.pallas import tpu_sc as plsc

T = 50
B = 1024
EMB = 100
EMBP = 128
HID = 128
OUT = 2
BC = 1024
GW = 128


def _sc_gather(emb, idx):
    ni = idx.shape[1]
    mesh = plsc.VectorSubcoreMesh(core_axis_name="core",
                                  subcore_axis_name="subcore")

    @pl.kernel(out_type=jax.ShapeDtypeStruct((ni, EMBP), jnp.float32),
               mesh=mesh)
    def k(emb_hbm, idx_hbm, out_hbm):
        def body(i_vmem, o_vmem):
            pltpu.sync_copy(emb_hbm.at[i_vmem.at[0]], o_vmem)

        pltpu.emit_pipeline(
            body,
            grid=(ni // GW,),
            in_specs=[pl.BlockSpec((1, GW), index_map=lambda i: (0, i))],
            out_specs=[pl.BlockSpec((GW, EMBP),
                                    index_map=lambda i: (i, 0))],
            core_axis_name=("core", "subcore"),
            dimension_semantics=(pltpu.PARALLEL,),
        )(idx_hbm, out_hbm)

    return k(emb, idx)


def _to_bf16(x):
    def body(x_ref, o_ref):
        o_ref[...] = x_ref[...].astype(jnp.bfloat16)

    return pl.pallas_call(
        body,
        grid=(T,),
        in_specs=[pl.BlockSpec((1, B, EMBP), lambda i: (i, 0, 0))],
        out_specs=pl.BlockSpec((1, B, EMBP), lambda i: (i, 0, 0)),
        out_shape=jax.ShapeDtypeStruct((T, B, EMBP), jnp.bfloat16),
        compiler_params=pltpu.CompilerParams(
            dimension_semantics=("arbitrary",)),
    )(x)


def _lstm_body(x_ref, w0f_ref, b0f_ref, w0r_ref, b0r_ref,
               wih1f_ref, whh1f_ref, b1f_ref, wih1r_ref, whh1r_ref, b1r_ref,
               fcwf_ref, fcwr_ref, fcb_ref, out_ref,
               ys0_ref, xhf_ref, xhr_ref, cf_ref, cr_ref, h1f_ref, h1r_ref):
    f32 = jnp.float32
    bf16 = jnp.bfloat16

    def update(g, c):
        ti = jnp.tanh(g[:, 0:HID])
        tf = jnp.tanh(g[:, HID:2 * HID])
        tg = jnp.tanh(g[:, 2 * HID:3 * HID])
        to = jnp.tanh(g[:, 3 * HID:4 * HID])
        c = 0.5 * ((tf * c + c) + (ti * tg + tg))
        tc = jnp.tanh(c)
        h = 0.5 * (to * tc + tc)
        return h, c

    zb = jnp.zeros((BC, HID), bf16)
    zf = jnp.zeros((BC, HID), f32)
    xhf_ref[:, HID:2 * HID] = zb
    xhr_ref[:, HID:2 * HID] = zb
    cf_ref[...] = zf
    cr_ref[...] = zf

    def step0(i):
        tr = T - 1 - i
        xhf_ref[:, 0:HID] = x_ref[i]
        xhr_ref[:, 0:HID] = x_ref[tr]
        gf = (jnp.dot(xhf_ref[...], w0f_ref[...], preferred_element_type=f32)
              + b0f_ref[...])
        gr = (jnp.dot(xhr_ref[...], w0r_ref[...], preferred_element_type=f32)
              + b0r_ref[...])
        hf, cf = update(gf, cf_ref[...])
        hr, cr = update(gr, cr_ref[...])
        hfb = hf.astype(bf16)
        hrb = hr.astype(bf16)
        ys0_ref[i, :, 0:HID] = hfb
        ys0_ref[tr, :, HID:2 * HID] = hrb
        xhf_ref[:, HID:2 * HID] = hfb
        xhr_ref[:, HID:2 * HID] = hrb
        cf_ref[...] = cf
        cr_ref[...] = cr

    def loop0(j, _):
        step0(2 * j)
        step0(2 * j + 1)
        return 0

    lax.fori_loop(0, T // 2, loop0, 0)

    h1f_ref[...] = zb
    h1r_ref[...] = zb
    cf_ref[...] = zf
    cr_ref[...] = zf

    def step1(i):
        tr = T - 1 - i
        gf = (jnp.dot(ys0_ref[i], wih1f_ref[...], preferred_element_type=f32)
              + jnp.dot(h1f_ref[...], whh1f_ref[...],
                        preferred_element_type=f32)
              + b1f_ref[...])
        gr = (jnp.dot(ys0_ref[tr], wih1r_ref[...], preferred_element_type=f32)
              + jnp.dot(h1r_ref[...], whh1r_ref[...],
                        preferred_element_type=f32)
              + b1r_ref[...])
        hf, cf = update(gf, cf_ref[...])
        hr, cr = update(gr, cr_ref[...])
        h1f_ref[...] = hf.astype(bf16)
        h1r_ref[...] = hr.astype(bf16)
        cf_ref[...] = cf
        cr_ref[...] = cr

    def loop1(j, _):
        step1(2 * j)
        step1(2 * j + 1)
        return 0

    lax.fori_loop(0, T // 2, loop1, 0)

    out_ref[...] = (
        jnp.dot(h1f_ref[...].astype(f32), fcwf_ref[...],
                preferred_element_type=f32)
        + jnp.dot(h1r_ref[...].astype(f32), fcwr_ref[...],
                  preferred_element_type=f32)
        + fcb_ref[...])


def _tc_bilstm(x, w0f, b0f, w0r, b0r,
               wih1f, whh1f, b1f, wih1r, whh1r, b1r, fcwf, fcwr, fcb):
    f32 = jnp.float32
    bf16 = jnp.bfloat16
    full = lambda a: pl.BlockSpec(a.shape, lambda i: (0,) * a.ndim)
    return pl.pallas_call(
        _lstm_body,
        grid=(B // BC,),
        in_specs=[
            pl.BlockSpec((T, BC, EMBP), lambda i: (0, i, 0)),
            full(w0f), full(b0f), full(w0r), full(b0r),
            full(wih1f), full(whh1f), full(b1f),
            full(wih1r), full(whh1r), full(b1r),
            full(fcwf), full(fcwr), full(fcb),
        ],
        out_specs=pl.BlockSpec((BC, OUT), lambda i: (i, 0)),
        out_shape=jax.ShapeDtypeStruct((B, OUT), f32),
        scratch_shapes=[
            pltpu.VMEM((T, BC, 2 * HID), bf16),
            pltpu.VMEM((BC, 2 * HID), bf16),
            pltpu.VMEM((BC, 2 * HID), bf16),
            pltpu.VMEM((BC, HID), f32),
            pltpu.VMEM((BC, HID), f32),
            pltpu.VMEM((BC, HID), bf16),
            pltpu.VMEM((BC, HID), bf16),
        ],
        compiler_params=pltpu.CompilerParams(
            dimension_semantics=("arbitrary",)),
    )(x, w0f, b0f, w0r, b0r, wih1f, whh1f, b1f, wih1r, whh1r, b1r,
      fcwf, fcwr, fcb)


def _gate_scale():
    return jnp.concatenate([
        jnp.full((2 * HID,), 0.5, jnp.float32),
        jnp.ones((HID,), jnp.float32),
        jnp.full((HID,), 0.5, jnp.float32),
    ])


def kernel(text, emb, W_ih_l0, W_hh_l0, b_ih_l0, b_hh_l0, W_ih_l0r, W_hh_l0r,
           b_ih_l0r, b_hh_l0r, W_ih_l1, W_hh_l1, b_ih_l1, b_hh_l1, W_ih_l1r,
           W_hh_l1r, b_ih_l1r, b_hh_l1r, fc_W, fc_b):
    bf16 = jnp.bfloat16
    idx = jnp.transpose(text).reshape(1, B * T)
    emb_p = jnp.pad(emb, ((0, 0), (0, EMBP - EMB)))
    x = _to_bf16(_sc_gather(emb_p, idx).reshape(T, B, EMBP))

    s = _gate_scale()
    zpad = ((0, EMBP - EMB), (0, 0))
    w0f = jnp.concatenate([jnp.pad(W_ih_l0.T, zpad), W_hh_l0.T], 0) * s
    w0r = jnp.concatenate([jnp.pad(W_ih_l0r.T, zpad), W_hh_l0r.T], 0) * s
    b0f = ((b_ih_l0 + b_hh_l0) * s).reshape(1, 4 * HID)
    b0r = ((b_ih_l0r + b_hh_l0r) * s).reshape(1, 4 * HID)
    b1f = ((b_ih_l1 + b_hh_l1) * s).reshape(1, 4 * HID)
    b1r = ((b_ih_l1r + b_hh_l1r) * s).reshape(1, 4 * HID)
    return _tc_bilstm(
        x,
        w0f.astype(bf16), b0f, w0r.astype(bf16), b0r,
        (W_ih_l1.T * s).astype(bf16), (W_hh_l1.T * s).astype(bf16), b1f,
        (W_ih_l1r.T * s).astype(bf16), (W_hh_l1r.T * s).astype(bf16), b1r,
        fc_W.T[0:HID], fc_W.T[HID:2 * HID], fc_b.reshape(1, OUT),
    )

# --- scband reference (transcript-rebuilt; emitter-appended) ---
"""Pipeline reference for scband-redundancy-classifier-17454747091141 (READ-ONLY COPY).

The authoritative reference and input builder live on the scoring server;
editing this copy changes nothing except your own understanding.
"""

import jax, jax.numpy as jnp
import numpy as np

VOCAB = 400000
EMB = 100
HID = 128
OUT = 2
B = 1024
T = 50


def setup_inputs(seed: int = 0) -> dict:
    key = jax.random.key(seed)
    ks = jax.random.split(key, 24)
    def n(k, shape, scale=0.05):
        return jax.random.normal(k, shape, dtype=jnp.float32) * scale
    inp = {}
    inp['text'] = jax.random.randint(ks[0], (B, T), 0, VOCAB, dtype=jnp.int32)
    inp['emb'] = n(ks[1], (VOCAB, EMB), 0.1)
    # layer 0 (input EMB), forward and reverse directions; gate order i,f,g,o
    inp['W_ih_l0'] = n(ks[2], (4 * HID, EMB))
    inp['W_hh_l0'] = n(ks[3], (4 * HID, HID))
    inp['b_ih_l0'] = n(ks[4], (4 * HID,))
    inp['b_hh_l0'] = n(ks[5], (4 * HID,))
    inp['W_ih_l0r'] = n(ks[6], (4 * HID, EMB))
    inp['W_hh_l0r'] = n(ks[7], (4 * HID, HID))
    inp['b_ih_l0r'] = n(ks[8], (4 * HID,))
    inp['b_hh_l0r'] = n(ks[9], (4 * HID,))
    # layer 1 (input 2*HID from bidirectional layer 0)
    inp['W_ih_l1'] = n(ks[10], (4 * HID, 2 * HID))
    inp['W_hh_l1'] = n(ks[11], (4 * HID, HID))
    inp['b_ih_l1'] = n(ks[12], (4 * HID,))
    inp['b_hh_l1'] = n(ks[13], (4 * HID,))
    inp['W_ih_l1r'] = n(ks[14], (4 * HID, 2 * HID))
    inp['W_hh_l1r'] = n(ks[15], (4 * HID, HID))
    inp['b_ih_l1r'] = n(ks[16], (4 * HID,))
    inp['b_hh_l1r'] = n(ks[17], (4 * HID,))
    inp['fc_W'] = n(ks[18], (OUT, 2 * HID))
    inp['fc_b'] = n(ks[19], (OUT,))
    return inp


def _lstm_dir(x, W_ih, W_hh, b_ih, b_hh, reverse):
    # x: [T, B, in] -> ys: [T, B, H], hT: [B, H]
    H = W_hh.shape[1]
    Bm = x.shape[1]
    h0 = jnp.zeros((Bm, H), x.dtype)
    c0 = jnp.zeros((Bm, H), x.dtype)
    def step(carry, xt):
        h, c = carry
        g = xt @ W_ih.T + h @ W_hh.T + b_ih + b_hh
        i, f, gg, o = jnp.split(g, 4, axis=1)
        i = jax.nn.sigmoid(i)
        f = jax.nn.sigmoid(f)
        gg = jnp.tanh(gg)
        o = jax.nn.sigmoid(o)
        c = f * c + i * gg
        h = o * jnp.tanh(c)
        return (h, c), h
    (hT, cT), ys = jax.lax.scan(step, (h0, c0), x, reverse=reverse)
    return ys, hT


def _bilstm(x, Wf, Uf, bf, bbf, Wr, Ur, br, bbr):
    yf, hf = _lstm_dir(x, Wf, Uf, bf, bbf, reverse=False)
    yr, hr = _lstm_dir(x, Wr, Ur, br, bbr, reverse=True)
    return jnp.concatenate([yf, yr], axis=2), hf, hr


def reference(text, emb, W_ih_l0, W_hh_l0, b_ih_l0, b_hh_l0, W_ih_l0r, W_hh_l0r, b_ih_l0r, b_hh_l0r, W_ih_l1, W_hh_l1, b_ih_l1, b_hh_l1, W_ih_l1r, W_hh_l1r, b_ih_l1r, b_hh_l1r, fc_W, fc_b):
    # embedding lookup (dropout is identity in eval mode)
    embedded = jnp.take(emb, text, axis=0)            # [B, T, EMB]
    x = jnp.transpose(embedded, (1, 0, 2))            # [T, B, EMB]
    out0, _, _ = _bilstm(x, W_ih_l0, W_hh_l0, b_ih_l0, b_hh_l0, W_ih_l0r, W_hh_l0r, b_ih_l0r, b_hh_l0r)
    _, hf, hr = _bilstm(out0, W_ih_l1, W_hh_l1, b_ih_l1, b_hh_l1, W_ih_l1r, W_hh_l1r, b_ih_l1r, b_hh_l1r)
    # hidden[-2] = last-layer forward final, hidden[-1] = last-layer backward final
    hidden = jnp.concatenate([hf, hr], axis=1)        # [B, 2*HID]
    return hidden @ fc_W.T + fc_b                      # [B, OUT]

if __name__ == "__main__":
    import jax
    _d = setup_inputs()
    print(jax.jit(kernel)(*tuple(_d.values())))

</pallas_src>

<mosaic_0001>
#map = affine_map<(d0, d1) -> (0, 0)>
module attributes {stable_mosaic.version = 14 : i64} {
  func.func @k(%arg0: i32, %arg1: i32, %arg2: memref<400000x128xf32, #tpu.memory_space<hbm>>, %arg3: memref<1x51200xi32, #tpu.memory_space<hbm>>, %arg4: memref<51200x128xf32, #tpu.memory_space<hbm>>) attributes {dimension_semantics = [#tpu.dimension_semantics<core_parallel>, #tpu.dimension_semantics<subcore_parallel>], iteration_bounds = array<i64: 2, 16>, scalar_prefetch = 0 : i64, scratch_operands = 0 : i64, tpu.core_type = #tpu.core_type<sc_vector_subcore>, window_params = [{transform_indices = #map}, {transform_indices = #map}, {transform_indices = #map}]} {
    %mul3A = arith.constant 1 : i32
    %mul3A_0 = arith.muli %arg1, %mul3A : i32
    %add3A = arith.constant 0 : i32
    %add3A_1 = arith.addi %add3A, %mul3A_0 : i32
    %mul3A_2 = arith.constant 16 : i32
    %mul3A_3 = arith.muli %arg0, %mul3A_2 : i32
    %add3A_4 = arith.addi %add3A_1, %mul3A_3 : i32
    %lt3A = arith.constant 16 : i32
    %lt3A_5 = arith.cmpi slt, %add3A_4, %lt3A : i32
    %jit3A = arith.constant 13 : i32
    %jit3A_6 = arith.constant 12 : i32
    %select_n3A = arith.select %lt3A_5, %jit3A, %jit3A_6 : i32
    %lt3A_7 = arith.constant 16 : i32
    %lt3A_8 = arith.cmpi slt, %add3A_4, %lt3A_7 : i32
    %mul3A_9 = arith.muli %add3A_4, %select_n3A : i32
    %mul3A_10 = arith.constant 12 : i32
    %mul3A_11 = arith.muli %add3A_4, %mul3A_10 : i32
    %add3A_12 = arith.constant 16 : i32
    %add3A_13 = arith.addi %mul3A_11, %add3A_12 : i32
    %select_n3A_14 = arith.select %lt3A_8, %mul3A_9, %add3A_13 : i32
    %mul3A_15 = arith.constant 1 : i32
    %mul3A_16 = arith.muli %mul3A_15, %select_n3A : i32
    "tpu.region"() ({
      %run_scoped3A = memref.alloca() : memref<2x1x128xi32, #tpu.memory_space<vmem>>
      %run_scoped3A_17 = tpu.sem_alloc : memref<2x!tpu.dma_semaphore, #tpu.memory_space<semaphore_mem>>
      %run_scoped3A_18 = memref.alloca() : memref<2x128x128xf32, #tpu.memory_space<vmem>>
      %run_scoped3A_19 = tpu.sem_alloc : memref<2x!tpu.dma_semaphore, #tpu.memory_space<semaphore_mem>>
      %gt3A = arith.constant 0 : i32
      %gt3A_20 = arith.cmpi sgt, %mul3A_16, %gt3A : i32
      %convert_element_type3A = arith.extui %gt3A_20 : i1 to i32
      %cond3A = arith.constant 0 : i32
      %cond3A_21 = arith.cmpi ne, %convert_element_type3A, %cond3A : i32
      scf.if %cond3A_21 {
        %mul3A_22 = arith.constant 1 : i32
        %mul3A_23 = arith.muli %mul3A_22, %select_n3A : i32
        %sub3A = arith.constant 1 : i32
        %sub3A_24 = arith.subi %mul3A_23, %sub3A : i32
        %eq3A = arith.constant 0 : i32
        %eq3A_25 = arith.cmpi eq, %sub3A_24, %eq3A : i32
        %add3A_26 = arith.constant 0 : i32
        %add3A_27 = arith.addi %add3A_26, %select_n3A_14 : i32
        %select_n3A_28 = arith.constant true
        %select_n3A_29 = arith.constant 0 : i32
        %select_n3A_30 = arith.constant -1 : i32
        %select_n3A_31 = arith.select %select_n3A_28, %select_n3A_30, %select_n3A_29 : i32
        %eq3A_32 = arith.constant -1 : i32
        %eq3A_33 = arith.cmpi eq, %select_n3A_31, %eq3A_32 : i32
        %sub3A_34 = arith.constant 1 : i32
        %sub3A_35 = arith.subi %select_n3A, %sub3A_34 : i32
        %select_n3A_36 = arith.select %eq3A_33, %sub3A_35, %select_n3A_31 : i32
        %add3A_37 = arith.addi %select_n3A_36, %select_n3A_14 : i32
        %select_n3A_38 = arith.constant true
        %select_n3A_39 = arith.constant 0 : i32
        %select_n3A_40 = arith.constant 1 : i32
        %select_n3A_41 = arith.select %select_n3A_38, %select_n3A_40, %select_n3A_39 : i32
        %eq3A_42 = arith.cmpi eq, %select_n3A_41, %select_n3A : i32
        %select_n3A_43 = arith.constant 0 : i32
        %select_n3A_44 = arith.select %eq3A_42, %select_n3A_43, %select_n3A_41 : i32
        %add3A_45 = arith.addi %select_n3A_44, %select_n3A_14 : i32
        %add3A_46 = arith.constant 1 : i32
        %add3A_47 = arith.addi %select_n3A_44, %add3A_46 : i32
        %select_n3A_48 = arith.constant true
        %select_n3A_49 = arith.select %select_n3A_48, %add3A_47, %select_n3A_44 : i32
        %eq3A_50 = arith.cmpi eq, %select_n3A_49, %select_n3A : i32
        %select_n3A_51 = arith.constant 0 : i32
        %select_n3A_52 = arith.select %eq3A_50, %select_n3A_51, %select_n3A_49 : i32
        %add3A_53 = arith.addi %select_n3A_52, %select_n3A_14 : i32
        "tpu.trace_start"() <{level = 10 : i32, message = "ep_initialize_0"}> : () -> ()
        %rem3A = arith.constant 0 : i32
        %rem3A_54 = arith.constant 2 : i32
        %rem3A_55 = arith.remui %rem3A, %rem3A_54 : i32
        %mul3A_56 = arith.constant 128 : i32
        %mul3A_57 = arith.muli %mul3A_56, %add3A_27 : i32
        %dma_start3A = arith.constant 0 : i32
        %dma_start3A_58 = arith.constant 0 : i32
        %dma_start3A_59 = tpu.memref_slice %run_scoped3A[%rem3A_55, %dma_start3A, %dma_start3A_58] : memref<2x1x128xi32, #tpu.memory_space<vmem>> -> memref<1x1x128xi32, #tpu.memory_space<vmem>>
        %dma_start3A_60 = tpu.memref_squeeze %dma_start3A_59 : memref<1x1x128xi32, #tpu.memory_space<vmem>> -> memref<1x128xi32, #tpu.memory_space<vmem>>
        %dma_start3A_61 = arith.constant 0 : i32
        %dma_start3A_62 = tpu.memref_slice %arg3[%dma_start3A_61, %mul3A_57] : memref<1x51200xi32, #tpu.memory_space<hbm>> -> memref<1x128xi32, #tpu.memory_space<hbm>>
        %dma_start3A_63 = tpu.memref_slice %run_scoped3A_17[%rem3A_55] : memref<2x!tpu.dma_semaphore, #tpu.memory_space<semaphore_mem>> -> memref<1x!tpu.dma_semaphore, #tpu.memory_space<semaphore_mem>>
        %dma_start3A_64 = tpu.memref_squeeze %dma_start3A_63 : memref<1x!tpu.dma_semaphore, #tpu.memory_space<semaphore_mem>> -> memref<!tpu.dma_semaphore, #tpu.memory_space<semaphore_mem>>
        %dma_start3A_65 = arith.constant 0 : i32
        %dma_start3A_66 = arith.constant 0 : i32
        %dma_start3A_67 = tpu.memref_slice %run_scoped3A[%rem3A_55, %dma_start3A_65, %dma_start3A_66] : memref<2x1x128xi32, #tpu.memory_space<vmem>> -> memref<1x1x128xi32, #tpu.memory_space<vmem>>
        %dma_start3A_68 = tpu.memref_squeeze %dma_start3A_67 : memref<1x1x128xi32, #tpu.memory_space<vmem>> -> memref<1x128xi32, #tpu.memory_space<vmem>>
        %dma_start3A_69 = arith.constant 0 : i32
        %dma_start3A_70 = tpu.memref_slice %arg3[%dma_start3A_69, %mul3A_57] : memref<1x51200xi32, #tpu.memory_space<hbm>> -> memref<1x128xi32, #tpu.memory_space<hbm>>
        tpu.enqueue_dma source(%dma_start3A_70 : memref<1x128xi32, #tpu.memory_space<hbm>>) target(%dma_start3A_68 : memref<1x128xi32, #tpu.memory_space<vmem>>) target_semaphore(%dma_start3A_64 : memref<!tpu.dma_semaphore, #tpu.memory_space<semaphore_mem>>)
        %add3A_71 = arith.constant 0 : i32
        %add3A_72 = arith.constant 1 : i32
        %add3A_73 = arith.addi %add3A_71, %add3A_72 : i32
        %select_n3A_74 = arith.constant true
        %select_n3A_75 = arith.constant 0 : i32
        %select_n3A_76 = arith.select %select_n3A_74, %add3A_73, %select_n3A_75 : i32
        %while3A = arith.constant 0 : i32
        %while3A_77 = arith.constant 0 : i32
        %while3A_78 = arith.constant 0 : i32
        %while3A_79 = arith.constant 0 : i32
        %while3A_80 = arith.constant 0 : i32
        "tpu.trace_stop"() : () -> ()
        %while3A_81 = arith.subi %mul3A_16, %while3A : i32
        %while3A_82 = arith.addi %while3A, %while3A_81 : i32
        %while3A_83 = arith.constant 1 : i32
        %while3A_84 = arith.divsi %while3A_81, %while3A_83 : i32
        %while3A_85 = arith.muli %while3A_84, %while3A_83 : i32
        %while3A_86 = arith.addi %while3A, %while3A_85 : i32
        %while3A_87 = arith.constant 1 : i32
        %while3A_88:5 = scf.for %while3A_142 = %while3A to %while3A_86 step %while3A_87 iter_args(%while3A_143 = %select_n3A_76, %while3A_144 = %while3A_77, %while3A_145 = %while3A_78, %while3A_146 = %while3A_79, %while3A_147 = %while3A_80) -> (i32, i32, i32, i32, i32)  : i32 {
          %mul3A_148 = arith.constant 1 : i32
          %mul3A_149 = arith.muli %mul3A_148, %select_n3A : i32
          %eq3A_150 = arith.constant 0 : i32
          %eq3A_151 = arith.cmpi eq, %while3A_142, %eq3A_150 : i32
          %sub3A_152 = arith.constant 1 : i32
          %sub3A_153 = arith.subi %mul3A_149, %sub3A_152 : i32
          %eq3A_154 = arith.cmpi eq, %while3A_142, %sub3A_153 : i32
          %add3A_155 = arith.addi %while3A_147, %select_n3A_14 : i32
          %sub3A_156 = arith.constant 1 : i32
          %sub3A_157 = arith.subi %while3A_147, %sub3A_156 : i32
          %select_n3A_158 = arith.constant true
          %select_n3A_159 = arith.select %select_n3A_158, %sub3A_157, %while3A_147 : i32
          %eq3A_160 = arith.constant -1 : i32
          %eq3A_161 = arith.cmpi eq, %select_n3A_159, %eq3A_160 : i32
          %sub3A_162 = arith.constant 1 : i32
          %sub3A_163 = arith.subi %select_n3A, %sub3A_162 : i32
          %select_n3A_164 = arith.select %eq3A_161, %sub3A_163, %select_n3A_159 : i32
          %add3A_165 = arith.addi %select_n3A_164, %select_n3A_14 : i32
          %add3A_166 = arith.constant 1 : i32
          %add3A_167 = arith.addi %while3A_147, %add3A_166 : i32
          %select_n3A_168 = arith.constant true
          %select_n3A_169 = arith.select %select_n3A_168, %add3A_167, %while3A_147 : i32
          %eq3A_170 = arith.cmpi eq, %select_n3A_169, %select_n3A : i32
          %select_n3A_171 = arith.constant 0 : i32
          %select_n3A_172 = arith.select %eq3A_170, %select_n3A_171, %select_n3A_169 : i32
          %add3A_173 = arith.addi %select_n3A_172, %select_n3A_14 : i32
          %add3A_174 = arith.constant 1 : i32
          %add3A_175 = arith.addi %select_n3A_172, %add3A_174 : i32
          %select_n3A_176 = arith.constant true
          %select_n3A_177 = arith.select %select_n3A_176, %add3A_175, %select_n3A_172 : i32
          %eq3A_178 = arith.cmpi eq, %select_n3A_177, %select_n3A : i32
          %select_n3A_179 = arith.constant 0 : i32
          %select_n3A_180 = arith.select %eq3A_178, %select_n3A_179, %select_n3A_177 : i32
          %add3A_181 = arith.addi %select_n3A_180, %select_n3A_14 : i32
          %ne3A = arith.cmpi ne, %add3A_155, %add3A_173 : i32
          %or3A = arith.constant false
          %or3A_182 = arith.ori %or3A, %ne3A : i1
          %sub3A_183 = arith.constant 2 : i32
          %sub3A_184 = arith.subi %mul3A_149, %sub3A_183 : i32
          %add3A_185 = arith.constant 1 : i32
          %add3A_186 = arith.addi %sub3A_184, %add3A_185 : i32
          %ge3A = arith.cmpi sge, %while3A_142, %add3A_186 : i32
          %not3A = arith.constant true
          %not3A_187 = arith.xori %ge3A, %not3A : i1
          %and3A = arith.andi %or3A_182, %not3A_187 : i1
          %convert_element_type3A_188 = arith.extui %and3A : i1 to i32
          %cond3A_189 = arith.constant 0 : i32
          %cond3A_190 = arith.cmpi ne, %convert_element_type3A_188, %cond3A_189 : i32
          scf.if %cond3A_190 {
            "tpu.trace_start"() <{level = 10 : i32, message = "ep_copy_in"}> : () -> ()
            %rem3A_294 = arith.constant 2 : i32
            %rem3A_295 = arith.remui %while3A_143, %rem3A_294 : i32
            %mul3A_296 = arith.constant 128 : i32
            %mul3A_297 = arith.muli %mul3A_296, %add3A_173 : i32
            %dma_start3A_298 = arith.constant 0 : i32
            %dma_start3A_299 = arith.constant 0 : i32
            %dma_start3A_300 = tpu.memref_slice %run_scoped3A[%rem3A_295, %dma_start3A_298, %dma_start3A_299] : memref<2x1x128xi32, #tpu.memory_space<vmem>> -> memref<1x1x128xi32, #tpu.memory_space<vmem>>
            %dma_start3A_301 = tpu.memref_squeeze %dma_start3A_300 : memref<1x1x128xi32, #tpu.memory_space<vmem>> -> memref<1x128xi32, #tpu.memory_space<vmem>>
            %dma_start3A_302 = arith.constant 0 : i32
            %dma_start3A_303 = tpu.memref_slice %arg3[%dma_start3A_302, %mul3A_297] : memref<1x51200xi32, #tpu.memory_space<hbm>> -> memref<1x128xi32, #tpu.memory_space<hbm>>
            %dma_start3A_304 = tpu.memref_slice %run_scoped3A_17[%rem3A_295] : memref<2x!tpu.dma_semaphore, #tpu.memory_space<semaphore_mem>> -> memref<1x!tpu.dma_semaphore, #tpu.memory_space<semaphore_mem>>
            %dma_start3A_305 = tpu.memref_squeeze %dma_start3A_304 : memref<1x!tpu.dma_semaphore, #tpu.memory_space<semaphore_mem>> -> memref<!tpu.dma_semaphore, #tpu.memory_space<semaphore_mem>>
            %dma_start3A_306 = arith.constant 0 : i32
            %dma_start3A_307 = arith.constant 0 : i32
            %dma_start3A_308 = tpu.memref_slice %run_scoped3A[%rem3A_295, %dma_start3A_306, %dma_start3A_307] : memref<2x1x128xi32, #tpu.memory_space<vmem>> -> memref<1x1x128xi32, #tpu.memory_space<vmem>>
            %dma_start3A_309 = tpu.memref_squeeze %dma_start3A_308 : memref<1x1x128xi32, #tpu.memory_space<vmem>> -> memref<1x128xi32, #tpu.memory_space<vmem>>
            %dma_start3A_310 = arith.constant 0 : i32
            %dma_start3A_311 = tpu.memref_slice %arg3[%dma_start3A_310, %mul3A_297] : memref<1x51200xi32, #tpu.memory_space<hbm>> -> memref<1x128xi32, #tpu.memory_space<hbm>>
            tpu.enqueue_dma source(%dma_start3A_311 : memref<1x128xi32, #tpu.memory_space<hbm>>) target(%dma_start3A_309 : memref<1x128xi32, #tpu.memory_space<vmem>>) target_semaphore(%dma_start3A_305 : memref<!tpu.dma_semaphore, #tpu.memory_space<semaphore_mem>>)
            "tpu.trace_stop"() : () -> ()
          } else {
          }
          %and3A_191 = arith.constant true
          %and3A_192 = arith.andi %and3A, %and3A_191 : i1
          %add3A_193 = arith.constant 1 : i32
          %add3A_194 = arith.addi %while3A_143, %add3A_193 : i32
          %select_n3A_195 = arith.select %and3A_192, %add3A_194, %while3A_143 : i32
          %ne3A_196 = arith.cmpi ne, %add3A_155, %add3A_173 : i32
          %or3A_197 = arith.constant false
          %or3A_198 = arith.ori %or3A_197, %ne3A_196 : i1
          %or3A_199 = arith.constant false
          %or3A_200 = arith.ori %or3A_198, %or3A_199 : i1
          %sub3A_201 = arith.constant 2 : i32
          %sub3A_202 = arith.subi %mul3A_149, %sub3A_201 : i32
          %add3A_203 = arith.constant 1 : i32
          %add3A_204 = arith.addi %sub3A_202, %add3A_203 : i32
          %ge3A_205 = arith.cmpi sge, %while3A_142, %add3A_204 : i32
          %not3A_206 = arith.constant true
          %not3A_207 = arith.xori %ge3A_205, %not3A_206 : i1
          %and3A_208 = arith.andi %or3A_200, %not3A_207 : i1
          %ne3A_209 = arith.cmpi ne, %add3A_155, %add3A_165 : i32
          %or3A_210 = arith.constant false
          %or3A_211 = arith.ori %or3A_210, %ne3A_209 : i1
          %or3A_212 = arith.ori %or3A_211, %eq3A_151 : i1
          %convert_element_type3A_213 = arith.extui %or3A_212 : i1 to i32
          %cond3A_214 = arith.constant 0 : i32
          %cond3A_215 = arith.cmpi ne, %convert_element_type3A_213, %cond3A_214 : i32
          scf.if %cond3A_215 {
            "tpu.trace_start"() <{level = 10 : i32, message = "ep_wait_in"}> : () -> ()
            %mul3A_294 = arith.constant 128 : i32
            %mul3A_295 = arith.muli %mul3A_294, %add3A_155 : i32
            %rem3A_296 = arith.constant 2 : i32
            %rem3A_297 = arith.remui %while3A_144, %rem3A_296 : i32
            %dma_wait3A = arith.constant 0 : i32
            %dma_wait3A_298 = arith.constant 0 : i32
            %dma_wait3A_299 = tpu.memref_slice %run_scoped3A[%rem3A_297, %dma_wait3A, %dma_wait3A_298] : memref<2x1x128xi32, #tpu.memory_space<vmem>> -> memref<1x1x128xi32, #tpu.memory_space<vmem>>
            %dma_wait3A_300 = tpu.memref_squeeze %dma_wait3A_299 : memref<1x1x128xi32, #tpu.memory_space<vmem>> -> memref<1x128xi32, #tpu.memory_space<vmem>>
            %dma_wait3A_301 = arith.constant 0 : i32
            %dma_wait3A_302 = tpu.memref_slice %arg3[%dma_wait3A_301, %mul3A_295] : memref<1x51200xi32, #tpu.memory_space<hbm>> -> memref<1x128xi32, #tpu.memory_space<hbm>>
            %dma_wait3A_303 = tpu.memref_slice %run_scoped3A_17[%rem3A_297] : memref<2x!tpu.dma_semaphore, #tpu.memory_space<semaphore_mem>> -> memref<1x!tpu.dma_semaphore, #tpu.memory_space<semaphore_mem>>
            %dma_wait3A_304 = tpu.memref_squeeze %dma_wait3A_303 : memref<1x!tpu.dma_semaphore, #tpu.memory_space<semaphore_mem>> -> memref<!tpu.dma_semaphore, #tpu.memory_space<semaphore_mem>>
            %dma_wait3A_305 = arith.constant 0 : i32
            %dma_wait3A_306 = arith.constant 0 : i32
            %dma_wait3A_307 = tpu.memref_slice %run_scoped3A[%rem3A_297, %dma_wait3A_305, %dma_wait3A_306] : memref<2x1x128xi32, #tpu.memory_space<vmem>> -> memref<1x1x128xi32, #tpu.memory_space<vmem>>
            %dma_wait3A_308 = tpu.memref_squeeze %dma_wait3A_307 : memref<1x1x128xi32, #tpu.memory_space<vmem>> -> memref<1x128xi32, #tpu.memory_space<vmem>>
            %dma_wait3A_309 = arith.constant 0 : i32
            %dma_wait3A_310 = tpu.memref_slice %arg3[%dma_wait3A_309, %mul3A_295] : memref<1x51200xi32, #tpu.memory_space<hbm>> -> memref<1x128xi32, #tpu.memory_space<hbm>>
            tpu.wait_dma2 semaphore(%dma_wait3A_304 : memref<!tpu.dma_semaphore, #tpu.memory_space<semaphore_mem>>) src(%dma_wait3A_310 : memref<1x128xi32, #tpu.memory_space<hbm>>) dst(%dma_wait3A_308 : memref<1x128xi32, #tpu.memory_space<vmem>>)
            "tpu.trace_stop"() : () -> ()
          } else {
          }
          %ne3A_216 = arith.cmpi ne, %add3A_155, %add3A_165 : i32
          %or3A_217 = arith.constant false
          %or3A_218 = arith.ori %or3A_217, %ne3A_216 : i1
          %or3A_219 = arith.constant false
          %or3A_220 = arith.ori %or3A_218, %or3A_219 : i1
          %or3A_221 = arith.ori %or3A_220, %eq3A_151 : i1
          %convert_element_type3A_222 = arith.extui %or3A_221 : i1 to i32
          %cond3A_223 = arith.constant 0 : i32
          %cond3A_224 = arith.cmpi ne, %convert_element_type3A_222, %cond3A_223 : i32
          scf.if %cond3A_224 {
          } else {
          }
          %rem3A_225 = arith.constant 2 : i32
          %rem3A_226 = arith.remui %while3A_144, %rem3A_225 : i32
          %rem3A_227 = arith.constant 2 : i32
          %rem3A_228 = arith.remui %while3A_145, %rem3A_227 : i32
          %run_scoped3A_229 = arith.constant 0 : i32
          "tpu.trace_start"() <{level = 10 : i32, message = "ep_run_kernel"}> : () -> ()
          "tpu.region"() ({
            %run_scoped3A_294 = tpu.sem_alloc : memref<!tpu.dma_semaphore, #tpu.memory_space<semaphore_mem>>
            %dma_start3A_295 = arith.constant 0 : i32
            %dma_start3A_296 = arith.constant 0 : i32
            %dma_start3A_297 = tpu.memref_slice %run_scoped3A_18[%rem3A_228, %dma_start3A_295, %dma_start3A_296] : memref<2x128x128xf32, #tpu.memory_space<vmem>> -> memref<1x128x128xf32, #tpu.memory_space<vmem>>
            %dma_start3A_298 = tpu.memref_squeeze %dma_start3A_297 : memref<1x128x128xf32, #tpu.memory_space<vmem>> -> memref<128x128xf32, #tpu.memory_space<vmem>>
            %dma_start3A_299 = arith.constant 0 : i32
            %dma_start3A_300 = arith.constant 0 : i32
            %dma_start3A_301 = tpu.memref_slice %run_scoped3A[%rem3A_226, %dma_start3A_299, %dma_start3A_300] : memref<2x1x128xi32, #tpu.memory_space<vmem>> -> memref<1x1x128xi32, #tpu.memory_space<vmem>>
            %dma_start3A_302 = tpu.memref_squeeze %dma_start3A_301 : memref<1x1x128xi32, #tpu.memory_space<vmem>> -> memref<1x128xi32, #tpu.memory_space<vmem>>
            %dma_start3A_303 = arith.constant 0 : i32
            %dma_start3A_304 = tpu.memref_slice %dma_start3A_302[%run_scoped3A_229, %dma_start3A_303] : memref<1x128xi32, #tpu.memory_space<vmem>> -> memref<1x128xi32, #tpu.memory_space<vmem>>
            %dma_start3A_305 = tpu.memref_squeeze %dma_start3A_304 : memref<1x128xi32, #tpu.memory_space<vmem>> -> memref<128xi32, #tpu.memory_space<vmem>>
            %dma_start3A_306 = arith.constant 0 : i32
            %dma_start3A_307 = arith.constant 0 : i32
            %dma_start3A_308 = tpu.memref_slice %arg2[%dma_start3A_306, %dma_start3A_307] : memref<400000x128xf32, #tpu.memory_space<hbm>> -> memref<400000x128xf32, #tpu.memory_space<hbm>>
            tpu.enqueue_indirect_dma source(%dma_start3A_308 : memref<400000x128xf32, #tpu.memory_space<hbm>>) target(%dma_start3A_298 : memref<128x128xf32, #tpu.memory_space<vmem>>) offsets(%dma_start3A_305 : memref<128xi32, #tpu.memory_space<vmem>>) semaphore(%run_scoped3A_294 : memref<!tpu.dma_semaphore, #tpu.memory_space<semaphore_mem>>)
            %dma_wait3A = arith.constant 0 : i32
            %dma_wait3A_309 = arith.constant 0 : i32
            %dma_wait3A_310 = tpu.memref_slice %run_scoped3A_18[%rem3A_228, %dma_wait3A, %dma_wait3A_309] : memref<2x128x128xf32, #tpu.memory_space<vmem>> -> memref<1x128x128xf32, #tpu.memory_space<vmem>>
            %dma_wait3A_311 = tpu.memref_squeeze %dma_wait3A_310 : memref<1x128x128xf32, #tpu.memory_space<vmem>> -> memref<128x128xf32, #tpu.memory_space<vmem>>
            %dma_wait3A_312 = arith.constant 0 : i32
            %dma_wait3A_313 = arith.constant 0 : i32
            %dma_wait3A_314 = tpu.memref_slice %run_scoped3A[%rem3A_226, %dma_wait3A_312, %dma_wait3A_313] : memref<2x1x128xi32, #tpu.memory_space<vmem>> -> memref<1x1x128xi32, #tpu.memory_space<vmem>>
            %dma_wait3A_315 = tpu.memref_squeeze %dma_wait3A_314 : memref<1x1x128xi32, #tpu.memory_space<vmem>> -> memref<1x128xi32, #tpu.memory_space<vmem>>
            %dma_wait3A_316 = arith.constant 0 : i32
            %dma_wait3A_317 = tpu.memref_slice %dma_wait3A_315[%run_scoped3A_229, %dma_wait3A_316] : memref<1x128xi32, #tpu.memory_space<vmem>> -> memref<1x128xi32, #tpu.memory_space<vmem>>
            %dma_wait3A_318 = tpu.memref_squeeze %dma_wait3A_317 : memref<1x128xi32, #tpu.memory_space<vmem>> -> memref<128xi32, #tpu.memory_space<vmem>>
            %dma_wait3A_319 = arith.constant 0 : i32
            %dma_wait3A_320 = arith.constant 0 : i32
            %dma_wait3A_321 = tpu.memref_slice %arg2[%dma_wait3A_319, %dma_wait3A_320] : memref<400000x128xf32, #tpu.memory_space<hbm>> -> memref<400000x128xf32, #tpu.memory_space<hbm>>
            tpu.wait_indirect_dma semaphore(%run_scoped3A_294 : memref<!tpu.dma_semaphore, #tpu.memory_space<semaphore_mem>>) src(%dma_wait3A_321 : memref<400000x128xf32, #tpu.memory_space<hbm>>) dst(%dma_wait3A_311 : memref<128x128xf32, #tpu.memory_space<vmem>>)
            tpu.yield
          }) : () -> ()
          "tpu.trace_stop"() : () -> ()
          %ne3A_230 = arith.cmpi ne, %add3A_155, %add3A_173 : i32
          %or3A_231 = arith.constant false
          %or3A_232 = arith.ori %or3A_231, %ne3A_230 : i1
          %or3A_233 = arith.ori %or3A_232, %eq3A_154 : i1
          %convert_element_type3A_234 = arith.extui %or3A_233 : i1 to i32
          %cond3A_235 = arith.constant 0 : i32
          %cond3A_236 = arith.cmpi ne, %convert_element_type3A_234, %cond3A_235 : i32
          scf.if %cond3A_236 {
          } else {
          }
          %and3A_237 = arith.constant false
          %and3A_238 = arith.andi %or3A_233, %and3A_237 : i1
          %ne3A_239 = arith.cmpi ne, %add3A_155, %add3A_173 : i32
          %or3A_240 = arith.constant false
          %or3A_241 = arith.ori %or3A_240, %ne3A_239 : i1
          %or3A_242 = arith.constant false
          %or3A_243 = arith.ori %or3A_241, %or3A_242 : i1
          %or3A_244 = arith.ori %or3A_243, %eq3A_154 : i1
          %convert_element_type3A_245 = arith.extui %or3A_244 : i1 to i32
          %cond3A_246 = arith.constant 0 : i32
          %cond3A_247 = arith.cmpi ne, %convert_element_type3A_245, %cond3A_246 : i32
          scf.if %cond3A_247 {
            "tpu.trace_start"() <{level = 10 : i32, message = "ep_copy_out"}> : () -> ()
            %rem3A_294 = arith.constant 2 : i32
            %rem3A_295 = arith.remui %while3A_145, %rem3A_294 : i32
            %mul3A_296 = arith.constant 128 : i32
            %mul3A_297 = arith.muli %mul3A_296, %add3A_155 : i32
            %dma_start3A_298 = arith.constant 0 : i32
            %dma_start3A_299 = arith.constant 0 : i32
            %dma_start3A_300 = tpu.memref_slice %run_scoped3A_18[%rem3A_295, %dma_start3A_298, %dma_start3A_299] : memref<2x128x128xf32, #tpu.memory_space<vmem>> -> memref<1x128x128xf32, #tpu.memory_space<vmem>>
            %dma_start3A_301 = tpu.memref_squeeze %dma_start3A_300 : memref<1x128x128xf32, #tpu.memory_space<vmem>> -> memref<128x128xf32, #tpu.memory_space<vmem>>
            %dma_start3A_302 = arith.constant 0 : i32
            %dma_start3A_303 = tpu.memref_slice %arg4[%mul3A_297, %dma_start3A_302] : memref<51200x128xf32, #tpu.memory_space<hbm>> -> memref<128x128xf32, #tpu.memory_space<hbm>>
            %dma_start3A_304 = tpu.memref_slice %run_scoped3A_19[%rem3A_295] : memref<2x!tpu.dma_semaphore, #tpu.memory_space<semaphore_mem>> -> memref<1x!tpu.dma_semaphore, #tpu.memory_space<semaphore_mem>>
            %dma_start3A_305 = tpu.memref_squeeze %dma_start3A_304 : memref<1x!tpu.dma_semaphore, #tpu.memory_space<semaphore_mem>> -> memref<!tpu.dma_semaphore, #tpu.memory_space<semaphore_mem>>
            %dma_start3A_306 = arith.constant 0 : i32
            %dma_start3A_307 = tpu.memref_slice %arg4[%mul3A_297, %dma_start3A_306] : memref<51200x128xf32, #tpu.memory_space<hbm>> -> memref<128x128xf32, #tpu.memory_space<hbm>>
            %dma_start3A_308 = arith.constant 0 : i32
            %dma_start3A_309 = arith.constant 0 : i32
            %dma_start3A_310 = tpu.memref_slice %run_scoped3A_18[%rem3A_295, %dma_start3A_308, %dma_start3A_309] : memref<2x128x128xf32, #tpu.memory_space<vmem>> -> memref<1x128x128xf32, #tpu.memory_space<vmem>>
            %dma_start3A_311 = tpu.memref_squeeze %dma_start3A_310 : memref<1x128x128xf32, #tpu.memory_space<vmem>> -> memref<128x128xf32, #tpu.memory_space<vmem>>
            tpu.enqueue_dma source(%dma_start3A_311 : memref<128x128xf32, #tpu.memory_space<vmem>>) target(%dma_start3A_307 : memref<128x128xf32, #tpu.memory_space<hbm>>) target_semaphore(%dma_start3A_305 : memref<!tpu.dma_semaphore, #tpu.memory_space<semaphore_mem>>)
            "tpu.trace_stop"() : () -> ()
          } else {
          }
          %and3A_248 = arith.constant true
          %and3A_249 = arith.andi %or3A_244, %and3A_248 : i1
          %add3A_250 = arith.constant 1 : i32
          %add3A_251 = arith.addi %while3A_145, %add3A_250 : i32
          %select_n3A_252 = arith.select %and3A_249, %add3A_251, %while3A_145 : i32
          %ne3A_253 = arith.cmpi ne, %add3A_155, %add3A_165 : i32
          %or3A_254 = arith.constant false
          %or3A_255 = arith.ori %or3A_254, %ne3A_253 : i1
          %not3A_256 = arith.constant true
          %not3A_257 = arith.xori %eq3A_151, %not3A_256 : i1
          %and3A_258 = arith.andi %or3A_255, %not3A_257 : i1
          %convert_element_type3A_259 = arith.extui %and3A_258 : i1 to i32
          %cond3A_260 = arith.constant 0 : i32
          %cond3A_261 = arith.cmpi ne, %convert_element_type3A_259, %cond3A_260 : i32
          scf.if %cond3A_261 {
          } else {
          }
          %and3A_262 = arith.constant false
          %and3A_263 = arith.andi %and3A_258, %and3A_262 : i1
          %ne3A_264 = arith.cmpi ne, %add3A_155, %add3A_165 : i32
          %or3A_265 = arith.constant false
          %or3A_266 = arith.ori %or3A_265, %ne3A_264 : i1
          %or3A_267 = arith.constant false
          %or3A_268 = arith.ori %or3A_266, %or3A_267 : i1
          %not3A_269 = arith.constant true
          %not3A_270 = arith.xori %eq3A_151, %not3A_269 : i1
          %and3A_271 = arith.andi %or3A_268, %not3A_270 : i1
          %convert_element_type3A_272 = arith.extui %and3A_271 : i1 to i32
          %cond3A_273 = arith.constant 0 : i32
          %cond3A_274 = arith.cmpi ne, %convert_element_type3A_272, %cond3A_273 : i32
          scf.if %cond3A_274 {
            "tpu.trace_start"() <{level = 10 : i32, message = "ep_wait_out"}> : () -> ()
            %rem3A_294 = arith.constant 2 : i32
            %rem3A_295 = arith.remui %while3A_146, %rem3A_294 : i32
            %mul3A_296 = arith.constant 128 : i32
            %mul3A_297 = arith.muli %mul3A_296, %add3A_165 : i32
            %dma_wait3A = arith.constant 0 : i32
            %dma_wait3A_298 = arith.constant 0 : i32
            %dma_wait3A_299 = tpu.memref_slice %run_scoped3A_18[%rem3A_295, %dma_wait3A, %dma_wait3A_298] : memref<2x128x128xf32, #tpu.memory_space<vmem>> -> memref<1x128x128xf32, #tpu.memory_space<vmem>>
            %dma_wait3A_300 = tpu.memref_squeeze %dma_wait3A_299 : memref<1x128x128xf32, #tpu.memory_space<vmem>> -> memref<128x128xf32, #tpu.memory_space<vmem>>
            %dma_wait3A_301 = arith.constant 0 : i32
            %dma_wait3A_302 = tpu.memref_slice %arg4[%mul3A_297, %dma_wait3A_301] : memref<51200x128xf32, #tpu.memory_space<hbm>> -> memref<128x128xf32, #tpu.memory_space<hbm>>
            %dma_wait3A_303 = tpu.memref_slice %run_scoped3A_19[%rem3A_295] : memref<2x!tpu.dma_semaphore, #tpu.memory_space<semaphore_mem>> -> memref<1x!tpu.dma_semaphore, #tpu.memory_space<semaphore_mem>>
            %dma_wait3A_304 = tpu.memref_squeeze %dma_wait3A_303 : memref<1x!tpu.dma_semaphore, #tpu.memory_space<semaphore_mem>> -> memref<!tpu.dma_semaphore, #tpu.memory_space<semaphore_mem>>
            %dma_wait3A_305 = arith.constant 0 : i32
            %dma_wait3A_306 = tpu.memref_slice %arg4[%mul3A_297, %dma_wait3A_305] : memref<51200x128xf32, #tpu.memory_space<hbm>> -> memref<128x128xf32, #tpu.memory_space<hbm>>
            %dma_wait3A_307 = arith.constant 0 : i32
            %dma_wait3A_308 = arith.constant 0 : i32
            %dma_wait3A_309 = tpu.memref_slice %run_scoped3A_18[%rem3A_295, %dma_wait3A_307, %dma_wait3A_308] : memref<2x128x128xf32, #tpu.memory_space<vmem>> -> memref<1x128x128xf32, #tpu.memory_space<vmem>>
            %dma_wait3A_310 = tpu.memref_squeeze %dma_wait3A_309 : memref<1x128x128xf32, #tpu.memory_space<vmem>> -> memref<128x128xf32, #tpu.memory_space<vmem>>
            tpu.wait_dma2 semaphore(%dma_wait3A_304 : memref<!tpu.dma_semaphore, #tpu.memory_space<semaphore_mem>>) src(%dma_wait3A_310 : memref<128x128xf32, #tpu.memory_space<vmem>>) dst(%dma_wait3A_306 : memref<128x128xf32, #tpu.memory_space<hbm>>)
            "tpu.trace_stop"() : () -> ()
          } else {
          }
          %and3A_275 = arith.constant true
          %and3A_276 = arith.andi %and3A_271, %and3A_275 : i1
          %add3A_277 = arith.constant 1 : i32
          %add3A_278 = arith.addi %while3A_146, %add3A_277 : i32
          %select_n3A_279 = arith.select %and3A_276, %add3A_278, %while3A_146 : i32
          %ne3A_280 = arith.cmpi ne, %add3A_155, %add3A_173 : i32
          %or3A_281 = arith.constant false
          %or3A_282 = arith.ori %or3A_281, %ne3A_280 : i1
          %or3A_283 = arith.ori %or3A_282, %eq3A_154 : i1
          %add3A_284 = arith.constant 1 : i32
          %add3A_285 = arith.addi %while3A_144, %add3A_284 : i32
          %select_n3A_286 = arith.select %or3A_283, %add3A_285, %while3A_144 : i32
          %add3A_287 = arith.constant 1 : i32
          %add3A_288 = arith.addi %while3A_147, %add3A_287 : i32
          %select_n3A_289 = arith.constant true
          %select_n3A_290 = arith.select %select_n3A_289, %add3A_288, %while3A_147 : i32
          %eq3A_291 = arith.cmpi eq, %select_n3A_290, %select_n3A : i32
          %select_n3A_292 = arith.constant 0 : i32
          %select_n3A_293 = arith.select %eq3A_291, %select_n3A_292, %select_n3A_290 : i32
          scf.yield %select_n3A_195, %select_n3A_286, %select_n3A_252, %select_n3A_279, %select_n3A_293 : i32, i32, i32, i32, i32
        }
        %while3A_89 = arith.constant 1 : i32
        %while3A_90:5 = scf.for %while3A_142 = %while3A_86 to %while3A_82 step %while3A_89 iter_args(%while3A_143 = %while3A_88#0, %while3A_144 = %while3A_88#1, %while3A_145 = %while3A_88#2, %while3A_146 = %while3A_88#3, %while3A_147 = %while3A_88#4) -> (i32, i32, i32, i32, i32)  : i32 {
          %mul3A_148 = arith.constant 1 : i32
          %mul3A_149 = arith.muli %mul3A_148, %select_n3A : i32
          %eq3A_150 = arith.constant 0 : i32
          %eq3A_151 = arith.cmpi eq, %while3A_142, %eq3A_150 : i32
          %sub3A_152 = arith.constant 1 : i32
          %sub3A_153 = arith.subi %mul3A_149, %sub3A_152 : i32
          %eq3A_154 = arith.cmpi eq, %while3A_142, %sub3A_153 : i32
          %add3A_155 = arith.addi %while3A_147, %select_n3A_14 : i32
          %sub3A_156 = arith.constant 1 : i32
          %sub3A_157 = arith.subi %while3A_147, %sub3A_156 : i32
          %select_n3A_158 = arith.constant true
          %select_n3A_159 = arith.select %select_n3A_158, %sub3A_157, %while3A_147 : i32
          %eq3A_160 = arith.constant -1 : i32
          %eq3A_161 = arith.cmpi eq, %select_n3A_159, %eq3A_160 : i32
          %sub3A_162 = arith.constant 1 : i32
          %sub3A_163 = arith.subi %select_n3A, %sub3A_162 : i32
          %select_n3A_164 = arith.select %eq3A_161, %sub3A_163, %select_n3A_159 : i32
          %add3A_165 = arith.addi %select_n3A_164, %select_n3A_14 : i32
          %add3A_166 = arith.constant 1 : i32
          %add3A_167 = arith.addi %while3A_147, %add3A_166 : i32
          %select_n3A_168 = arith.constant true
          %select_n3A_169 = arith.select %select_n3A_168, %add3A_167, %while3A_147 : i32
          %eq3A_170 = arith.cmpi eq, %select_n3A_169, %select_n3A : i32
          %select_n3A_171 = arith.constant 0 : i32
          %select_n3A_172 = arith.select %eq3A_170, %select_n3A_171, %select_n3A_169 : i32
          %add3A_173 = arith.addi %select_n3A_172, %select_n3A_14 : i32
          %add3A_174 = arith.constant 1 : i32
          %add3A_175 = arith.addi %select_n3A_172, %add3A_174 : i32
          %select_n3A_176 = arith.constant true
          %select_n3A_177 = arith.select %select_n3A_176, %add3A_175, %select_n3A_172 : i32
          %eq3A_178 = arith.cmpi eq, %select_n3A_177, %select_n3A : i32
          %select_n3A_179 = arith.constant 0 : i32
          %select_n3A_180 = arith.select %eq3A_178, %select_n3A_179, %select_n3A_177 : i32
          %add3A_181 = arith.addi %select_n3A_180, %select_n3A_14 : i32
          %ne3A = arith.cmpi ne, %add3A_155, %add3A_173 : i32
          %or3A = arith.constant false
          %or3A_182 = arith.ori %or3A, %ne3A : i1
          %sub3A_183 = arith.constant 2 : i32
          %sub3A_184 = arith.subi %mul3A_149, %sub3A_183 : i32
          %add3A_185 = arith.constant 1 : i32
          %add3A_186 = arith.addi %sub3A_184, %add3A_185 : i32
          %ge3A = arith.cmpi sge, %while3A_142, %add3A_186 : i32
          %not3A = arith.constant true
          %not3A_187 = arith.xori %ge3A, %not3A : i1
          %and3A = arith.andi %or3A_182, %not3A_187 : i1
          %convert_element_type3A_188 = arith.extui %and3A : i1 to i32
          %cond3A_189 = arith.constant 0 : i32
          %cond3A_190 = arith.cmpi ne, %convert_element_type3A_188, %cond3A_189 : i32
          scf.if %cond3A_190 {
            "tpu.trace_start"() <{level = 10 : i32, message = "ep_copy_in"}> : () -> ()
            %rem3A_294 = arith.constant 2 : i32
            %rem3A_295 = arith.remui %while3A_143, %rem3A_294 : i32
            %mul3A_296 = arith.constant 128 : i32
            %mul3A_297 = arith.muli %mul3A_296, %add3A_173 : i32
            %dma_start3A_298 = arith.constant 0 : i32
            %dma_start3A_299 = arith.constant 0 : i32
            %dma_start3A_300 = tpu.memref_slice %run_scoped3A[%rem3A_295, %dma_start3A_298, %dma_start3A_299] : memref<2x1x128xi32, #tpu.memory_space<vmem>> -> memref<1x1x128xi32, #tpu.memory_space<vmem>>
            %dma_start3A_301 = tpu.memref_squeeze %dma_start3A_300 : memref<1x1x128xi32, #tpu.memory_space<vmem>> -> memref<1x128xi32, #tpu.memory_space<vmem>>
            %dma_start3A_302 = arith.constant 0 : i32
            %dma_start3A_303 = tpu.memref_slice %arg3[%dma_start3A_302, %mul3A_297] : memref<1x51200xi32, #tpu.memory_space<hbm>> -> memref<1x128xi32, #tpu.memory_space<hbm>>
            %dma_start3A_304 = tpu.memref_slice %run_scoped3A_17[%rem3A_295] : memref<2x!tpu.dma_semaphore, #tpu.memory_space<semaphore_mem>> -> memref<1x!tpu.dma_semaphore, #tpu.memory_space<semaphore_mem>>
            %dma_start3A_305 = tpu.memref_squeeze %dma_start3A_304 : memref<1x!tpu.dma_semaphore, #tpu.memory_space<semaphore_mem>> -> memref<!tpu.dma_semaphore, #tpu.memory_space<semaphore_mem>>
            %dma_start3A_306 = arith.constant 0 : i32
            %dma_start3A_307 = arith.constant 0 : i32
            %dma_start3A_308 = tpu.memref_slice %run_scoped3A[%rem3A_295, %dma_start3A_306, %dma_start3A_307] : memref<2x1x128xi32, #tpu.memory_space<vmem>> -> memref<1x1x128xi32, #tpu.memory_space<vmem>>
            %dma_start3A_309 = tpu.memref_squeeze %dma_start3A_308 : memref<1x1x128xi32, #tpu.memory_space<vmem>> -> memref<1x128xi32, #tpu.memory_space<vmem>>
            %dma_start3A_310 = arith.constant 0 : i32
            %dma_start3A_311 = tpu.memref_slice %arg3[%dma_start3A_310, %mul3A_297] : memref<1x51200xi32, #tpu.memory_space<hbm>> -> memref<1x128xi32, #tpu.memory_space<hbm>>
            tpu.enqueue_dma source(%dma_start3A_311 : memref<1x128xi32, #tpu.memory_space<hbm>>) target(%dma_start3A_309 : memref<1x128xi32, #tpu.memory_space<vmem>>) target_semaphore(%dma_start3A_305 : memref<!tpu.dma_semaphore, #tpu.memory_space<semaphore_mem>>)
            "tpu.trace_stop"() : () -> ()
          } else {
          }
          %and3A_191 = arith.constant true
          %and3A_192 = arith.andi %and3A, %and3A_191 : i1
          %add3A_193 = arith.constant 1 : i32
          %add3A_194 = arith.addi %while3A_143, %add3A_193 : i32
          %select_n3A_195 = arith.select %and3A_192, %add3A_194, %while3A_143 : i32
          %ne3A_196 = arith.cmpi ne, %add3A_155, %add3A_173 : i32
          %or3A_197 = arith.constant false
          %or3A_198 = arith.ori %or3A_197, %ne3A_196 : i1
          %or3A_199 = arith.constant false
          %or3A_200 = arith.ori %or3A_198, %or3A_199 : i1
          %sub3A_201 = arith.constant 2 : i32
          %sub3A_202 = arith.subi %mul3A_149, %sub3A_201 : i32
          %add3A_203 = arith.constant 1 : i32
          %add3A_204 = arith.addi %sub3A_202, %add3A_203 : i32
          %ge3A_205 = arith.cmpi sge, %while3A_142, %add3A_204 : i32
          %not3A_206 = arith.constant true
          %not3A_207 = arith.xori %ge3A_205, %not3A_206 : i1
          %and3A_208 = arith.andi %or3A_200, %not3A_207 : i1
          %ne3A_209 = arith.cmpi ne, %add3A_155, %add3A_165 : i32
          %or3A_210 = arith.constant false
          %or3A_211 = arith.ori %or3A_210, %ne3A_209 : i1
          %or3A_212 = arith.ori %or3A_211, %eq3A_151 : i1
          %convert_element_type3A_213 = arith.extui %or3A_212 : i1 to i32
          %cond3A_214 = arith.constant 0 : i32
          %cond3A_215 = arith.cmpi ne, %convert_element_type3A_213, %cond3A_214 : i32
          scf.if %cond3A_215 {
            "tpu.trace_start"() <{level = 10 : i32, message = "ep_wait_in"}> : () -> ()
            %mul3A_294 = arith.constant 128 : i32
            %mul3A_295 = arith.muli %mul3A_294, %add3A_155 : i32
            %rem3A_296 = arith.constant 2 : i32
            %rem3A_297 = arith.remui %while3A_144, %rem3A_296 : i32
            %dma_wait3A = arith.constant 0 : i32
            %dma_wait3A_298 = arith.constant 0 : i32
            %dma_wait3A_299 = tpu.memref_slice %run_scoped3A[%rem3A_297, %dma_wait3A, %dma_wait3A_298] : memref<2x1x128xi32, #tpu.memory_space<vmem>> -> memref<1x1x128xi32, #tpu.memory_space<vmem>>
            %dma_wait3A_300 = tpu.memref_squeeze %dma_wait3A_299 : memref<1x1x128xi32, #tpu.memory_space<vmem>> -> memref<1x128xi32, #tpu.memory_space<vmem>>
            %dma_wait3A_301 = arith.constant 0 : i32
            %dma_wait3A_302 = tpu.memref_slice %arg3[%dma_wait3A_301, %mul3A_295] : memref<1x51200xi32, #tpu.memory_space<hbm>> -> memref<1x128xi32, #tpu.memory_space<hbm>>
            %dma_wait3A_303 = tpu.memref_slice %run_scoped3A_17[%rem3A_297] : memref<2x!tpu.dma_semaphore, #tpu.memory_space<semaphore_mem>> -> memref<1x!tpu.dma_semaphore, #tpu.memory_space<semaphore_mem>>
            %dma_wait3A_304 = tpu.memref_squeeze %dma_wait3A_303 : memref<1x!tpu.dma_semaphore, #tpu.memory_space<semaphore_mem>> -> memref<!tpu.dma_semaphore, #tpu.memory_space<semaphore_mem>>
            %dma_wait3A_305 = arith.constant 0 : i32
            %dma_wait3A_306 = arith.constant 0 : i32
            %dma_wait3A_307 = tpu.memref_slice %run_scoped3A[%rem3A_297, %dma_wait3A_305, %dma_wait3A_306] : memref<2x1x128xi32, #tpu.memory_space<vmem>> -> memref<1x1x128xi32, #tpu.memory_space<vmem>>
            %dma_wait3A_308 = tpu.memref_squeeze %dma_wait3A_307 : memref<1x1x128xi32, #tpu.memory_space<vmem>> -> memref<1x128xi32, #tpu.memory_space<vmem>>
            %dma_wait3A_309 = arith.constant 0 : i32
            %dma_wait3A_310 = tpu.memref_slice %arg3[%dma_wait3A_309, %mul3A_295] : memref<1x51200xi32, #tpu.memory_space<hbm>> -> memref<1x128xi32, #tpu.memory_space<hbm>>
            tpu.wait_dma2 semaphore(%dma_wait3A_304 : memref<!tpu.dma_semaphore, #tpu.memory_space<semaphore_mem>>) src(%dma_wait3A_310 : memref<1x128xi32, #tpu.memory_space<hbm>>) dst(%dma_wait3A_308 : memref<1x128xi32, #tpu.memory_space<vmem>>)
            "tpu.trace_stop"() : () -> ()
          } else {
          }
          %ne3A_216 = arith.cmpi ne, %add3A_155, %add3A_165 : i32
          %or3A_217 = arith.constant false
          %or3A_218 = arith.ori %or3A_217, %ne3A_216 : i1
          %or3A_219 = arith.constant false
          %or3A_220 = arith.ori %or3A_218, %or3A_219 : i1
          %or3A_221 = arith.ori %or3A_220, %eq3A_151 : i1
          %convert_element_type3A_222 = arith.extui %or3A_221 : i1 to i32
          %cond3A_223 = arith.constant 0 : i32
          %cond3A_224 = arith.cmpi ne, %convert_element_type3A_222, %cond3A_223 : i32
          scf.if %cond3A_224 {
          } else {
          }
          %rem3A_225 = arith.constant 2 : i32
          %rem3A_226 = arith.remui %while3A_144, %rem3A_225 : i32
          %rem3A_227 = arith.constant 2 : i32
          %rem3A_228 = arith.remui %while3A_145, %rem3A_227 : i32
          %run_scoped3A_229 = arith.constant 0 : i32
          "tpu.trace_start"() <{level = 10 : i32, message = "ep_run_kernel"}> : () -> ()
          "tpu.region"() ({
            %run_scoped3A_294 = tpu.sem_alloc : memref<!tpu.dma_semaphore, #tpu.memory_space<semaphore_mem>>
            %dma_start3A_295 = arith.constant 0 : i32
            %dma_start3A_296 = arith.constant 0 : i32
            %dma_start3A_297 = tpu.memref_slice %run_scoped3A_18[%rem3A_228, %dma_start3A_295, %dma_start3A_296] : memref<2x128x128xf32, #tpu.memory_space<vmem>> -> memref<1x128x128xf32, #tpu.memory_space<vmem>>
            %dma_start3A_298 = tpu.memref_squeeze %dma_start3A_297 : memref<1x128x128xf32, #tpu.memory_space<vmem>> -> memref<128x128xf32, #tpu.memory_space<vmem>>
            %dma_start3A_299 = arith.constant 0 : i32
            %dma_start3A_300 = arith.constant 0 : i32
            %dma_start3A_301 = tpu.memref_slice %run_scoped3A[%rem3A_226, %dma_start3A_299, %dma_start3A_300] : memref<2x1x128xi32, #tpu.memory_space<vmem>> -> memref<1x1x128xi32, #tpu.memory_space<vmem>>
            %dma_start3A_302 = tpu.memref_squeeze %dma_start3A_301 : memref<1x1x128xi32, #tpu.memory_space<vmem>> -> memref<1x128xi32, #tpu.memory_space<vmem>>
            %dma_start3A_303 = arith.constant 0 : i32
            %dma_start3A_304 = tpu.memref_slice %dma_start3A_302[%run_scoped3A_229, %dma_start3A_303] : memref<1x128xi32, #tpu.memory_space<vmem>> -> memref<1x128xi32, #tpu.memory_space<vmem>>
            %dma_start3A_305 = tpu.memref_squeeze %dma_start3A_304 : memref<1x128xi32, #tpu.memory_space<vmem>> -> memref<128xi32, #tpu.memory_space<vmem>>
            %dma_start3A_306 = arith.constant 0 : i32
            %dma_start3A_307 = arith.constant 0 : i32
            %dma_start3A_308 = tpu.memref_slice %arg2[%dma_start3A_306, %dma_start3A_307] : memref<400000x128xf32, #tpu.memory_space<hbm>> -> memref<400000x128xf32, #tpu.memory_space<hbm>>
            tpu.enqueue_indirect_dma source(%dma_start3A_308 : memref<400000x128xf32, #tpu.memory_space<hbm>>) target(%dma_start3A_298 : memref<128x128xf32, #tpu.memory_space<vmem>>) offsets(%dma_start3A_305 : memref<128xi32, #tpu.memory_space<vmem>>) semaphore(%run_scoped3A_294 : memref<!tpu.dma_semaphore, #tpu.memory_space<semaphore_mem>>)
            %dma_wait3A = arith.constant 0 : i32
            %dma_wait3A_309 = arith.constant 0 : i32
            %dma_wait3A_310 = tpu.memref_slice %run_scoped3A_18[%rem3A_228, %dma_wait3A, %dma_wait3A_309] : memref<2x128x128xf32, #tpu.memory_space<vmem>> -> memref<1x128x128xf32, #tpu.memory_space<vmem>>
            %dma_wait3A_311 = tpu.memref_squeeze %dma_wait3A_310 : memref<1x128x128xf32, #tpu.memory_space<vmem>> -> memref<128x128xf32, #tpu.memory_space<vmem>>
            %dma_wait3A_312 = arith.constant 0 : i32
            %dma_wait3A_313 = arith.constant 0 : i32
            %dma_wait3A_314 = tpu.memref_slice %run_scoped3A[%rem3A_226, %dma_wait3A_312, %dma_wait3A_313] : memref<2x1x128xi32, #tpu.memory_space<vmem>> -> memref<1x1x128xi32, #tpu.memory_space<vmem>>
            %dma_wait3A_315 = tpu.memref_squeeze %dma_wait3A_314 : memref<1x1x128xi32, #tpu.memory_space<vmem>> -> memref<1x128xi32, #tpu.memory_space<vmem>>
            %dma_wait3A_316 = arith.constant 0 : i32
            %dma_wait3A_317 = tpu.memref_slice %dma_wait3A_315[%run_scoped3A_229, %dma_wait3A_316] : memref<1x128xi32, #tpu.memory_space<vmem>> -> memref<1x128xi32, #tpu.memory_space<vmem>>
            %dma_wait3A_318 = tpu.memref_squeeze %dma_wait3A_317 : memref<1x128xi32, #tpu.memory_space<vmem>> -> memref<128xi32, #tpu.memory_space<vmem>>
            %dma_wait3A_319 = arith.constant 0 : i32
            %dma_wait3A_320 = arith.constant 0 : i32
            %dma_wait3A_321 = tpu.memref_slice %arg2[%dma_wait3A_319, %dma_wait3A_320] : memref<400000x128xf32, #tpu.memory_space<hbm>> -> memref<400000x128xf32, #tpu.memory_space<hbm>>
            tpu.wait_indirect_dma semaphore(%run_scoped3A_294 : memref<!tpu.dma_semaphore, #tpu.memory_space<semaphore_mem>>) src(%dma_wait3A_321 : memref<400000x128xf32, #tpu.memory_space<hbm>>) dst(%dma_wait3A_311 : memref<128x128xf32, #tpu.memory_space<vmem>>)
            tpu.yield
          }) : () -> ()
          "tpu.trace_stop"() : () -> ()
          %ne3A_230 = arith.cmpi ne, %add3A_155, %add3A_173 : i32
          %or3A_231 = arith.constant false
          %or3A_232 = arith.ori %or3A_231, %ne3A_230 : i1
          %or3A_233 = arith.ori %or3A_232, %eq3A_154 : i1
          %convert_element_type3A_234 = arith.extui %or3A_233 : i1 to i32
          %cond3A_235 = arith.constant 0 : i32
          %cond3A_236 = arith.cmpi ne, %convert_element_type3A_234, %cond3A_235 : i32
          scf.if %cond3A_236 {
          } else {
          }
          %and3A_237 = arith.constant false
          %and3A_238 = arith.andi %or3A_233, %and3A_237 : i1
          %ne3A_239 = arith.cmpi ne, %add3A_155, %add3A_173 : i32
          %or3A_240 = arith.constant false
          %or3A_241 = arith.ori %or3A_240, %ne3A_239 : i1
          %or3A_242 = arith.constant false
          %or3A_243 = arith.ori %or3A_241, %or3A_242 : i1
          %or3A_244 = arith.ori %or3A_243, %eq3A_154 : i1
          %convert_element_type3A_245 = arith.extui %or3A_244 : i1 to i32
          %cond3A_246 = arith.constant 0 : i32
          %cond3A_247 = arith.cmpi ne, %convert_element_type3A_245, %cond3A_246 : i32
          scf.if %cond3A_247 {
            "tpu.trace_start"() <{level = 10 : i32, message = "ep_copy_out"}> : () -> ()
            %rem3A_294 = arith.constant 2 : i32
            %rem3A_295 = arith.remui %while3A_145, %rem3A_294 : i32
            %mul3A_296 = arith.constant 128 : i32
            %mul3A_297 = arith.muli %mul3A_296, %add3A_155 : i32
            %dma_start3A_298 = arith.constant 0 : i32
            %dma_start3A_299 = arith.constant 0 : i32
            %dma_start3A_300 = tpu.memref_slice %run_scoped3A_18[%rem3A_295, %dma_start3A_298, %dma_start3A_299] : memref<2x128x128xf32, #tpu.memory_space<vmem>> -> memref<1x128x128xf32, #tpu.memory_space<vmem>>
            %dma_start3A_301 = tpu.memref_squeeze %dma_start3A_300 : memref<1x128x128xf32, #tpu.memory_space<vmem>> -> memref<128x128xf32, #tpu.memory_space<vmem>>
            %dma_start3A_302 = arith.constant 0 : i32
            %dma_start3A_303 = tpu.memref_slice %arg4[%mul3A_297, %dma_start3A_302] : memref<51200x128xf32, #tpu.memory_space<hbm>> -> memref<128x128xf32, #tpu.memory_space<hbm>>
            %dma_start3A_304 = tpu.memref_slice %run_scoped3A_19[%rem3A_295] : memref<2x!tpu.dma_semaphore, #tpu.memory_space<semaphore_mem>> -> memref<1x!tpu.dma_semaphore, #tpu.memory_space<semaphore_mem>>
            %dma_start3A_305 = tpu.memref_squeeze %dma_start3A_304 : memref<1x!tpu.dma_semaphore, #tpu.memory_space<semaphore_mem>> -> memref<!tpu.dma_semaphore, #tpu.memory_space<semaphore_mem>>
            %dma_start3A_306 = arith.constant 0 : i32
            %dma_start3A_307 = tpu.memref_slice %arg4[%mul3A_297, %dma_start3A_306] : memref<51200x128xf32, #tpu.memory_space<hbm>> -> memref<128x128xf32, #tpu.memory_space<hbm>>
            %dma_start3A_308 = arith.constant 0 : i32
            %dma_start3A_309 = arith.constant 0 : i32
            %dma_start3A_310 = tpu.memref_slice %run_scoped3A_18[%rem3A_295, %dma_start3A_308, %dma_start3A_309] : memref<2x128x128xf32, #tpu.memory_space<vmem>> -> memref<1x128x128xf32, #tpu.memory_space<vmem>>
            %dma_start3A_311 = tpu.memref_squeeze %dma_start3A_310 : memref<1x128x128xf32, #tpu.memory_space<vmem>> -> memref<128x128xf32, #tpu.memory_space<vmem>>
            tpu.enqueue_dma source(%dma_start3A_311 : memref<128x128xf32, #tpu.memory_space<vmem>>) target(%dma_start3A_307 : memref<128x128xf32, #tpu.memory_space<hbm>>) target_semaphore(%dma_start3A_305 : memref<!tpu.dma_semaphore, #tpu.memory_space<semaphore_mem>>)
            "tpu.trace_stop"() : () -> ()
          } else {
          }
          %and3A_248 = arith.constant true
          %and3A_249 = arith.andi %or3A_244, %and3A_248 : i1
          %add3A_250 = arith.constant 1 : i32
          %add3A_251 = arith.addi %while3A_145, %add3A_250 : i32
          %select_n3A_252 = arith.select %and3A_249, %add3A_251, %while3A_145 : i32
          %ne3A_253 = arith.cmpi ne, %add3A_155, %add3A_165 : i32
          %or3A_254 = arith.constant false
          %or3A_255 = arith.ori %or3A_254, %ne3A_253 : i1
          %not3A_256 = arith.constant true
          %not3A_257 = arith.xori %eq3A_151, %not3A_256 : i1
          %and3A_258 = arith.andi %or3A_255, %not3A_257 : i1
          %convert_element_type3A_259 = arith.extui %and3A_258 : i1 to i32
          %cond3A_260 = arith.constant 0 : i32
          %cond3A_261 = arith.cmpi ne, %convert_element_type3A_259, %cond3A_260 : i32
          scf.if %cond3A_261 {
          } else {
          }
          %and3A_262 = arith.constant false
          %and3A_263 = arith.andi %and3A_258, %and3A_262 : i1
          %ne3A_264 = arith.cmpi ne, %add3A_155, %add3A_165 : i32
          %or3A_265 = arith.constant false
          %or3A_266 = arith.ori %or3A_265, %ne3A_264 : i1
          %or3A_267 = arith.constant false
          %or3A_268 = arith.ori %or3A_266, %or3A_267 : i1
          %not3A_269 = arith.constant true
          %not3A_270 = arith.xori %eq3A_151, %not3A_269 : i1
          %and3A_271 = arith.andi %or3A_268, %not3A_270 : i1
          %convert_element_type3A_272 = arith.extui %and3A_271 : i1 to i32
          %cond3A_273 = arith.constant 0 : i32
          %cond3A_274 = arith.cmpi ne, %convert_element_type3A_272, %cond3A_273 : i32
          scf.if %cond3A_274 {
            "tpu.trace_start"() <{level = 10 : i32, message = "ep_wait_out"}> : () -> ()
            %rem3A_294 = arith.constant 2 : i32
            %rem3A_295 = arith.remui %while3A_146, %rem3A_294 : i32
            %mul3A_296 = arith.constant 128 : i32
            %mul3A_297 = arith.muli %mul3A_296, %add3A_165 : i32
            %dma_wait3A = arith.constant 0 : i32
            %dma_wait3A_298 = arith.constant 0 : i32
            %dma_wait3A_299 = tpu.memref_slice %run_scoped3A_18[%rem3A_295, %dma_wait3A, %dma_wait3A_298] : memref<2x128x128xf32, #tpu.memory_space<vmem>> -> memref<1x128x128xf32, #tpu.memory_space<vmem>>
            %dma_wait3A_300 = tpu.memref_squeeze %dma_wait3A_299 : memref<1x128x128xf32, #tpu.memory_space<vmem>> -> memref<128x128xf32, #tpu.memory_space<vmem>>
            %dma_wait3A_301 = arith.constant 0 : i32
            %dma_wait3A_302 = tpu.memref_slice %arg4[%mul3A_297, %dma_wait3A_301] : memref<51200x128xf32, #tpu.memory_space<hbm>> -> memref<128x128xf32, #tpu.memory_space<hbm>>
            %dma_wait3A_303 = tpu.memref_slice %run_scoped3A_19[%rem3A_295] : memref<2x!tpu.dma_semaphore, #tpu.memory_space<semaphore_mem>> -> memref<1x!tpu.dma_semaphore, #tpu.memory_space<semaphore_mem>>
            %dma_wait3A_304 = tpu.memref_squeeze %dma_wait3A_303 : memref<1x!tpu.dma_semaphore, #tpu.memory_space<semaphore_mem>> -> memref<!tpu.dma_semaphore, #tpu.memory_space<semaphore_mem>>
            %dma_wait3A_305 = arith.constant 0 : i32
            %dma_wait3A_306 = tpu.memref_slice %arg4[%mul3A_297, %dma_wait3A_305] : memref<51200x128xf32, #tpu.memory_space<hbm>> -> memref<128x128xf32, #tpu.memory_space<hbm>>
            %dma_wait3A_307 = arith.constant 0 : i32
            %dma_wait3A_308 = arith.constant 0 : i32
            %dma_wait3A_309 = tpu.memref_slice %run_scoped3A_18[%rem3A_295, %dma_wait3A_307, %dma_wait3A_308] : memref<2x128x128xf32, #tpu.memory_space<vmem>> -> memref<1x128x128xf32, #tpu.memory_space<vmem>>
            %dma_wait3A_310 = tpu.memref_squeeze %dma_wait3A_309 : memref<1x128x128xf32, #tpu.memory_space<vmem>> -> memref<128x128xf32, #tpu.memory_space<vmem>>
            tpu.wait_dma2 semaphore(%dma_wait3A_304 : memref<!tpu.dma_semaphore, #tpu.memory_space<semaphore_mem>>) src(%dma_wait3A_310 : memref<128x128xf32, #tpu.memory_space<vmem>>) dst(%dma_wait3A_306 : memref<128x128xf32, #tpu.memory_space<hbm>>)
            "tpu.trace_stop"() : () -> ()
          } else {
          }
          %and3A_275 = arith.constant true
          %and3A_276 = arith.andi %and3A_271, %and3A_275 : i1
          %add3A_277 = arith.constant 1 : i32
          %add3A_278 = arith.addi %while3A_146, %add3A_277 : i32
          %select_n3A_279 = arith.select %and3A_276, %add3A_278, %while3A_146 : i32
          %ne3A_280 = arith.cmpi ne, %add3A_155, %add3A_173 : i32
          %or3A_281 = arith.constant false
          %or3A_282 = arith.ori %or3A_281, %ne3A_280 : i1
          %or3A_283 = arith.ori %or3A_282, %eq3A_154 : i1
          %add3A_284 = arith.constant 1 : i32
          %add3A_285 = arith.addi %while3A_144, %add3A_284 : i32
          %select_n3A_286 = arith.select %or3A_283, %add3A_285, %while3A_144 : i32
          %add3A_287 = arith.constant 1 : i32
          %add3A_288 = arith.addi %while3A_147, %add3A_287 : i32
          %select_n3A_289 = arith.constant true
          %select_n3A_290 = arith.select %select_n3A_289, %add3A_288, %while3A_147 : i32
          %eq3A_291 = arith.cmpi eq, %select_n3A_290, %select_n3A : i32
          %select_n3A_292 = arith.constant 0 : i32
          %select_n3A_293 = arith.select %eq3A_291, %select_n3A_292, %select_n3A_290 : i32
          scf.yield %select_n3A_195, %select_n3A_286, %select_n3A_252, %select_n3A_279, %select_n3A_293 : i32, i32, i32, i32, i32
        }
        %sub3A_91 = arith.constant 1 : i32
        %sub3A_92 = arith.subi %while3A_90#4, %sub3A_91 : i32
        %select_n3A_93 = arith.constant true
        %select_n3A_94 = arith.select %select_n3A_93, %sub3A_92, %while3A_90#4 : i32
        %eq3A_95 = arith.constant -1 : i32
        %eq3A_96 = arith.cmpi eq, %select_n3A_94, %eq3A_95 : i32
        %sub3A_97 = arith.constant 1 : i32
        %sub3A_98 = arith.subi %select_n3A, %sub3A_97 : i32
        %select_n3A_99 = arith.select %eq3A_96, %sub3A_98, %select_n3A_94 : i32
        %sub3A_100 = arith.constant 1 : i32
        %sub3A_101 = arith.subi %mul3A_16, %sub3A_100 : i32
        %mul3A_102 = arith.constant 1 : i32
        %mul3A_103 = arith.muli %mul3A_102, %select_n3A : i32
        %eq3A_104 = arith.constant 0 : i32
        %eq3A_105 = arith.cmpi eq, %sub3A_101, %eq3A_104 : i32
        %sub3A_106 = arith.constant 1 : i32
        %sub3A_107 = arith.subi %mul3A_103, %sub3A_106 : i32
        %eq3A_108 = arith.cmpi eq, %sub3A_101, %sub3A_107 : i32
        %add3A_109 = arith.addi %select_n3A_99, %select_n3A_14 : i32
        %sub3A_110 = arith.constant 1 : i32
        %sub3A_111 = arith.subi %select_n3A_99, %sub3A_110 : i32
        %select_n3A_112 = arith.constant true
        %select_n3A_113 = arith.select %select_n3A_112, %sub3A_111, %select_n3A_99 : i32
        %eq3A_114 = arith.constant -1 : i32
        %eq3A_115 = arith.cmpi eq, %select_n3A_113, %eq3A_114 : i32
        %sub3A_116 = arith.constant 1 : i32
        %sub3A_117 = arith.subi %select_n3A, %sub3A_116 : i32
        %select_n3A_118 = arith.select %eq3A_115, %sub3A_117, %select_n3A_113 : i32
        %add3A_119 = arith.addi %select_n3A_118, %select_n3A_14 : i32
        %add3A_120 = arith.constant 1 : i32
        %add3A_121 = arith.addi %select_n3A_99, %add3A_120 : i32
        %select_n3A_122 = arith.constant true
        %select_n3A_123 = arith.select %select_n3A_122, %add3A_121, %select_n3A_99 : i32
        %eq3A_124 = arith.cmpi eq, %select_n3A_123, %select_n3A : i32
        %select_n3A_125 = arith.constant 0 : i32
        %select_n3A_126 = arith.select %eq3A_124, %select_n3A_125, %select_n3A_123 : i32
        %add3A_127 = arith.addi %select_n3A_126, %select_n3A_14 : i32
        %add3A_128 = arith.constant 1 : i32
        %add3A_129 = arith.addi %select_n3A_126, %add3A_128 : i32
        %select_n3A_130 = arith.constant true
        %select_n3A_131 = arith.select %select_n3A_130, %add3A_129, %select_n3A_126 : i32
        %eq3A_132 = arith.cmpi eq, %select_n3A_131, %select_n3A : i32
        %select_n3A_133 = arith.constant 0 : i32
        %select_n3A_134 = arith.select %eq3A_132, %select_n3A_133, %select_n3A_131 : i32
        %add3A_135 = arith.addi %select_n3A_134, %select_n3A_14 : i32
        %convert_element_type3A_136 = arith.extui %eq3A_108 : i1 to i32
        %cond3A_137 = arith.constant 0 : i32
        %cond3A_138 = arith.cmpi ne, %convert_element_type3A_136, %cond3A_137 : i32
        scf.if %cond3A_138 {
        } else {
        }
        %convert_element_type3A_139 = arith.extui %eq3A_108 : i1 to i32
        %cond3A_140 = arith.constant 0 : i32
        %cond3A_141 = arith.cmpi ne, %convert_element_type3A_139, %cond3A_140 : i32
        scf.if %cond3A_141 {
          "tpu.trace_start"() <{level = 10 : i32, message = "ep_finalize"}> : () -> ()
          %rem3A_142 = arith.constant 2 : i32
          %rem3A_143 = arith.remui %while3A_90#3, %rem3A_142 : i32
          %mul3A_144 = arith.constant 128 : i32
          %mul3A_145 = arith.muli %mul3A_144, %add3A_109 : i32
          %dma_wait3A = arith.constant 0 : i32
          %dma_wait3A_146 = arith.constant 0 : i32
          %dma_wait3A_147 = tpu.memref_slice %run_scoped3A_18[%rem3A_143, %dma_wait3A, %dma_wait3A_146] : memref<2x128x128xf32, #tpu.memory_space<vmem>> -> memref<1x128x128xf32, #tpu.memory_space<vmem>>
          %dma_wait3A_148 = tpu.memref_squeeze %dma_wait3A_147 : memref<1x128x128xf32, #tpu.memory_space<vmem>> -> memref<128x128xf32, #tpu.memory_space<vmem>>
          %dma_wait3A_149 = arith.constant 0 : i32
          %dma_wait3A_150 = tpu.memref_slice %arg4[%mul3A_145, %dma_wait3A_149] : memref<51200x128xf32, #tpu.memory_space<hbm>> -> memref<128x128xf32, #tpu.memory_space<hbm>>
          %dma_wait3A_151 = tpu.memref_slice %run_scoped3A_19[%rem3A_143] : memref<2x!tpu.dma_semaphore, #tpu.memory_space<semaphore_mem>> -> memref<1x!tpu.dma_semaphore, #tpu.memory_space<semaphore_mem>>
          %dma_wait3A_152 = tpu.memref_squeeze %dma_wait3A_151 : memref<1x!tpu.dma_semaphore, #tpu.memory_space<semaphore_mem>> -> memref<!tpu.dma_semaphore, #tpu.memory_space<semaphore_mem>>
          %dma_wait3A_153 = arith.constant 0 : i32
          %dma_wait3A_154 = tpu.memref_slice %arg4[%mul3A_145, %dma_wait3A_153] : memref<51200x128xf32, #tpu.memory_space<hbm>> -> memref<128x128xf32, #tpu.memory_space<hbm>>
          %dma_wait3A_155 = arith.constant 0 : i32
          %dma_wait3A_156 = arith.constant 0 : i32
          %dma_wait3A_157 = tpu.memref_slice %run_scoped3A_18[%rem3A_143, %dma_wait3A_155, %dma_wait3A_156] : memref<2x128x128xf32, #tpu.memory_space<vmem>> -> memref<1x128x128xf32, #tpu.memory_space<vmem>>
          %dma_wait3A_158 = tpu.memref_squeeze %dma_wait3A_157 : memref<1x128x128xf32, #tpu.memory_space<vmem>> -> memref<128x128xf32, #tpu.memory_space<vmem>>
          tpu.wait_dma2 semaphore(%dma_wait3A_152 : memref<!tpu.dma_semaphore, #tpu.memory_space<semaphore_mem>>) src(%dma_wait3A_158 : memref<128x128xf32, #tpu.memory_space<vmem>>) dst(%dma_wait3A_154 : memref<128x128xf32, #tpu.memory_space<hbm>>)
          "tpu.trace_stop"() : () -> ()
        } else {
        }
      } else {
      }
      tpu.yield
    }) : () -> ()
    return
  }
}

module attributes {stable_mosaic.version = 14 : i64} {
  func.func @body(%arg0: i32, %arg1: memref<1x1024x128xf32, #tpu.memory_space<vmem>>, %arg2: memref<1x1024x128xbf16, #tpu.memory_space<vmem>>) attributes {dimension_semantics = [#tpu.dimension_semantics<arbitrary>], iteration_bounds = array<i64: 50>, scalar_prefetch = 0 : i64, scratch_operands = 0 : i64, tpu.core_type = #tpu.core_type<tc>, window_params = [{transform_indices = @transform_0, window_bounds = array<i64: 1, 1024, 128>}, {transform_indices = @transform_1, window_bounds = array<i64: 1, 1024, 128>}]} {
    %get3A = arith.constant 0 : index
    %get3A_0 = arith.constant 0 : index
    %get3A_1 = arith.constant 0 : index
    %get3A_2 = vector.load %arg1[%get3A, %get3A_0, %get3A_1] : memref<1x1024x128xf32, #tpu.memory_space<vmem>>, vector<1x1024x128xf32>
    %convert_element_type3A = arith.truncf %get3A_2 : vector<1x1024x128xf32> to vector<1x1024x128xbf16>
    %swap3A = arith.constant 0 : index
    %swap3A_3 = arith.constant 0 : index
    %swap3A_4 = arith.constant 0 : index
    %swap3A_5 = vector.load %arg2[%swap3A, %swap3A_3, %swap3A_4] : memref<1x1024x128xbf16, #tpu.memory_space<vmem>>, vector<1x1024x128xbf16>
    tpu.vector_store %arg2[%swap3A, %swap3A_3, %swap3A_4], %convert_element_type3A {strides = array<i32>} : memref<1x1024x128xbf16, #tpu.memory_space<vmem>>, vector<1x1024x128xbf16>,
    return
  }
  func.func @transform_0(%arg0: i32) -> (i32, i32, i32) {
    %c0_i32 = arith.constant 0 : i32
    %c0_i32_0 = arith.constant 0 : i32
    %c0_i32_1 = arith.constant 0 : i32
    return %arg0, %c0_i32, %c0_i32_0 : i32, i32, i32
  }
  func.func @transform_1(%arg0: i32) -> (i32, i32, i32) {
    %c0_i32 = arith.constant 0 : i32
    %c0_i32_0 = arith.constant 0 : i32
    %c0_i32_1 = arith.constant 0 : i32
    return %arg0, %c0_i32, %c0_i32_0 : i32, i32, i32
  }
}

module attributes {stable_mosaic.version = 14 : i64} {
  func.func @_lstm_body(%arg0: i32, %arg1: memref<50x1024x128xbf16, #tpu.memory_space<vmem>>, %arg2: memref<256x512xbf16, #tpu.memory_space<vmem>>, %arg3: memref<1x512xf32, #tpu.memory_space<vmem>>, %arg4: memref<256x512xbf16, #tpu.memory_space<vmem>>, %arg5: memref<1x512xf32, #tpu.memory_space<vmem>>, %arg6: memref<256x512xbf16, #tpu.memory_space<vmem>>, %arg7: memref<128x512xbf16, #tpu.memory_space<vmem>>, %arg8: memref<1x512xf32, #tpu.memory_space<vmem>>, %arg9: memref<256x512xbf16, #tpu.memory_space<vmem>>, %arg10: memref<128x512xbf16, #tpu.memory_space<vmem>>, %arg11: memref<1x512xf32, #tpu.memory_space<vmem>>, %arg12: memref<128x2xf32, #tpu.memory_space<vmem>>, %arg13: memref<128x2xf32, #tpu.memory_space<vmem>>, %arg14: memref<1x2xf32, #tpu.memory_space<vmem>>, %arg15: memref<1024x2xf32, #tpu.memory_space<vmem>>, %arg16: memref<50x1024x256xbf16, #tpu.memory_space<vmem>>, %arg17: memref<1024x256xbf16, #tpu.memory_space<vmem>>, %arg18: memref<1024x256xbf16, #tpu.memory_space<vmem>>, %arg19: memref<1024x128xf32, #tpu.memory_space<vmem>>, %arg20: memref<1024x128xf32, #tpu.memory_space<vmem>>, %arg21: memref<1024x128xbf16, #tpu.memory_space<vmem>>, %arg22: memref<1024x128xbf16, #tpu.memory_space<vmem>>) attributes {dimension_semantics = [#tpu.dimension_semantics<arbitrary>], iteration_bounds = array<i64: 1>, scalar_prefetch = 0 : i64, scratch_operands = 7 : i64, tpu.core_type = #tpu.core_type<tc>, window_params = [{transform_indices = @transform_0, window_bounds = array<i64: 50, 1024, 128>}, {pipeline_mode = #tpu.pipeline_mode<synchronous>, transform_indices = @transform_1, window_bounds = array<i64: 256, 512>}, {pipeline_mode = #tpu.pipeline_mode<synchronous>, transform_indices = @transform_2, window_bounds = array<i64: 1, 512>}, {pipeline_mode = #tpu.pipeline_mode<synchronous>, transform_indices = @transform_3, window_bounds = array<i64: 256, 512>}, {pipeline_mode = #tpu.pipeline_mode<synchronous>, transform_indices = @transform_4, window_bounds = array<i64: 1, 512>}, {pipeline_mode = #tpu.pipeline_mode<synchronous>, transform_indices = @transform_5, window_bounds = array<i64: 256, 512>}, {pipeline_mode = #tpu.pipeline_mode<synchronous>, transform_indices = @transform_6, window_bounds = array<i64: 128, 512>}, {pipeline_mode = #tpu.pipeline_mode<synchronous>, transform_indices = @transform_7, window_bounds = array<i64: 1, 512>}, {pipeline_mode = #tpu.pipeline_mode<synchronous>, transform_indices = @transform_8, window_bounds = array<i64: 256, 512>}, {pipeline_mode = #tpu.pipeline_mode<synchronous>, transform_indices = @transform_9, window_bounds = array<i64: 128, 512>}, {pipeline_mode = #tpu.pipeline_mode<synchronous>, transform_indices = @transform_10, window_bounds = array<i64: 1, 512>}, {pipeline_mode = #tpu.pipeline_mode<synchronous>, transform_indices = @transform_11, window_bounds = array<i64: 128, 2>}, {pipeline_mode = #tpu.pipeline_mode<synchronous>, transform_indices = @transform_12, window_bounds = array<i64: 128, 2>}, {pipeline_mode = #tpu.pipeline_mode<synchronous>, transform_indices = @transform_13, window_bounds = array<i64: 1, 2>}, {transform_indices = @transform_14, window_bounds = array<i64: 1024, 2>}]} {
    %broadcast_in_dim3A = arith.constant 0.000000e+00 : bf16
    %broadcast_in_dim3A_0 = vector.broadcast %broadcast_in_dim3A : bf16 to vector<1024x128xbf16>
    %broadcast_in_dim3A_1 = arith.constant 0.000000e+00 : f32
    %broadcast_in_dim3A_2 = vector.broadcast %broadcast_in_dim3A_1 : f32 to vector<1024x128xf32>
    %swap3A = arith.constant 0 : index
    %swap3A_3 = arith.constant 128 : index
    %swap3A_4 = vector.load %arg17[%swap3A, %swap3A_3] : memref<1024x256xbf16, #tpu.memory_space<vmem>>, vector<1024x128xbf16>
    tpu.vector_store %arg17[%swap3A, %swap3A_3], %broadcast_in_dim3A_0 {strides = array<i32>} : memref<1024x256xbf16, #tpu.memory_space<vmem>>, vector<1024x128xbf16>,
    %swap3A_5 = arith.constant 0 : index
    %swap3A_6 = arith.constant 128 : index
    %swap3A_7 = vector.load %arg18[%swap3A_5, %swap3A_6] : memref<1024x256xbf16, #tpu.memory_space<vmem>>, vector<1024x128xbf16>
    tpu.vector_store %arg18[%swap3A_5, %swap3A_6], %broadcast_in_dim3A_0 {strides = array<i32>} : memref<1024x256xbf16, #tpu.memory_space<vmem>>, vector<1024x128xbf16>,
    %swap3A_8 = arith.constant 0 : index
    %swap3A_9 = arith.constant 0 : index
    %swap3A_10 = vector.load %arg19[%swap3A_8, %swap3A_9] : memref<1024x128xf32, #tpu.memory_space<vmem>>, vector<1024x128xf32>
    tpu.vector_store %arg19[%swap3A_8, %swap3A_9], %broadcast_in_dim3A_2 {strides = array<i32>} : memref<1024x128xf32, #tpu.memory_space<vmem>>, vector<1024x128xf32>,
    %swap3A_11 = arith.constant 0 : index
    %swap3A_12 = arith.constant 0 : index
    %swap3A_13 = vector.load %arg20[%swap3A_11, %swap3A_12] : memref<1024x128xf32, #tpu.memory_space<vmem>>, vector<1024x128xf32>
    tpu.vector_store %arg20[%swap3A_11, %swap3A_12], %broadcast_in_dim3A_2 {strides = array<i32>} : memref<1024x128xf32, #tpu.memory_space<vmem>>, vector<1024x128xf32>,
    %scan3A = arith.constant 0 : i32
    %scan3A_14 = arith.constant 25 : i32
    %scan3A_15 = arith.addi %scan3A, %scan3A_14 : i32
    %scan3A_16 = arith.constant 1 : i32
    scf.for %scan3A_58 = %scan3A to %scan3A_15 step %scan3A_16  : i32 {
      %mul3A = arith.constant 2 : i32
      %mul3A_59 = arith.muli %mul3A, %scan3A_58 : i32
      %sub3A = arith.constant 49 : i32
      %sub3A_60 = arith.subi %sub3A, %mul3A_59 : i32
      %get3A_61 = arith.index_cast %mul3A_59 : i32 to index
      %get3A_62 = arith.constant 0 : index
      %get3A_63 = arith.constant 0 : index
      %get3A_64 = vector.load %arg1[%get3A_61, %get3A_62, %get3A_63] : memref<50x1024x128xbf16, #tpu.memory_space<vmem>>, vector<1x1024x128xbf16>
      %get3A_65 = vector.shape_cast %get3A_64 : vector<1x1024x128xbf16> to vector<1024x128xbf16>
      %swap3A_66 = arith.constant 0 : index
      %swap3A_67 = arith.constant 0 : index
      %swap3A_68 = vector.load %arg17[%swap3A_66, %swap3A_67] : memref<1024x256xbf16, #tpu.memory_space<vmem>>, vector<1024x128xbf16>
      tpu.vector_store %arg17[%swap3A_66, %swap3A_67], %get3A_65 {strides = array<i32>} : memref<1024x256xbf16, #tpu.memory_space<vmem>>, vector<1024x128xbf16>,
      %get3A_69 = arith.index_cast %sub3A_60 : i32 to index
      %get3A_70 = arith.constant 0 : index
      %get3A_71 = arith.constant 0 : index
      %get3A_72 = vector.load %arg1[%get3A_69, %get3A_70, %get3A_71] : memref<50x1024x128xbf16, #tpu.memory_space<vmem>>, vector<1x1024x128xbf16>
      %get3A_73 = vector.shape_cast %get3A_72 : vector<1x1024x128xbf16> to vector<1024x128xbf16>
      %swap3A_74 = arith.constant 0 : index
      %swap3A_75 = arith.constant 0 : index
      %swap3A_76 = vector.load %arg18[%swap3A_74, %swap3A_75] : memref<1024x256xbf16, #tpu.memory_space<vmem>>, vector<1024x128xbf16>
      tpu.vector_store %arg18[%swap3A_74, %swap3A_75], %get3A_73 {strides = array<i32>} : memref<1024x256xbf16, #tpu.memory_space<vmem>>, vector<1024x128xbf16>,
      %get3A_77 = arith.constant 0 : index
      %get3A_78 = arith.constant 0 : index
      %get3A_79 = vector.load %arg17[%get3A_77, %get3A_78] : memref<1024x256xbf16, #tpu.memory_space<vmem>>, vector<1024x256xbf16>
      %get3A_80 = arith.constant 0 : index
      %get3A_81 = arith.constant 0 : index
      %get3A_82 = vector.load %arg2[%get3A_80, %get3A_81] : memref<256x512xbf16, #tpu.memory_space<vmem>>, vector<256x512xbf16>
      %dot_general3A_83 = arith.constant dense<0.000000e+00> : vector<1024x512xf32>
      %dot_general3A_84 = tpu.matmul %get3A_79, %get3A_82, %dot_general3A_83 {dimension_numbers = #tpu.dot_dimension_numbers<[1], [0], [0], [1], [0, 0, 1, 1], [], []>, transpose_lhs_hint = false} : vector<1024x256xbf16>, vector<256x512xbf16>, vector<1024x512xf32> -> vector<1024x512xf32>
      %get3A_85 = arith.constant 0 : index
      %get3A_86 = arith.constant 0 : index
      %get3A_87 = vector.load %arg3[%get3A_85, %get3A_86] : memref<1x512xf32, #tpu.memory_space<vmem>>, vector<1x512xf32>
      %add3A_88 = vector.broadcast %get3A_87 : vector<1x512xf32> to vector<1024x512xf32>
      %add3A_89 = arith.addf %dot_general3A_84, %add3A_88 : vector<1024x512xf32>
      %get3A_90 = arith.constant 0 : index
      %get3A_91 = arith.constant 0 : index
      %get3A_92 = vector.load %arg18[%get3A_90, %get3A_91] : memref<1024x256xbf16, #tpu.memory_space<vmem>>, vector<1024x256xbf16>
      %get3A_93 = arith.constant 0 : index
      %get3A_94 = arith.constant 0 : index
      %get3A_95 = vector.load %arg4[%get3A_93, %get3A_94] : memref<256x512xbf16, #tpu.memory_space<vmem>>, vector<256x512xbf16>
      %dot_general3A_96 = arith.constant dense<0.000000e+00> : vector<1024x512xf32>
      %dot_general3A_97 = tpu.matmul %get3A_92, %get3A_95, %dot_general3A_96 {dimension_numbers = #tpu.dot_dimension_numbers<[1], [0], [0], [1], [0, 0, 1, 1], [], []>, transpose_lhs_hint = false} : vector<1024x256xbf16>, vector<256x512xbf16>, vector<1024x512xf32> -> vector<1024x512xf32>
      %get3A_98 = arith.constant 0 : index
      %get3A_99 = arith.constant 0 : index
      %get3A_100 = vector.load %arg5[%get3A_98, %get3A_99] : memref<1x512xf32, #tpu.memory_space<vmem>>, vector<1x512xf32>
      %add3A_101 = vector.broadcast %get3A_100 : vector<1x512xf32> to vector<1024x512xf32>
      %add3A_102 = arith.addf %dot_general3A_97, %add3A_101 : vector<1024x512xf32>
      %get3A_103 = arith.constant 0 : index
      %get3A_104 = arith.constant 0 : index
      %get3A_105 = vector.load %arg19[%get3A_103, %get3A_104] : memref<1024x128xf32, #tpu.memory_space<vmem>>, vector<1024x128xf32>
      %slice3A = vector.extract_strided_slice %add3A_89 {offsets = [0, 0], sizes = [1024, 128], strides = [1, 1]} : vector<1024x512xf32> to vector<1024x128xf32>
      %tanh3A = math.tanh %slice3A : vector<1024x128xf32>
      %slice3A_106 = vector.extract_strided_slice %add3A_89 {offsets = [0, 128], sizes = [1024, 128], strides = [1, 1]} : vector<1024x512xf32> to vector<1024x128xf32>
      %tanh3A_107 = math.tanh %slice3A_106 : vector<1024x128xf32>
      %slice3A_108 = vector.extract_strided_slice %add3A_89 {offsets = [0, 256], sizes = [1024, 128], strides = [1, 1]} : vector<1024x512xf32> to vector<1024x128xf32>
      %tanh3A_109 = math.tanh %slice3A_108 : vector<1024x128xf32>
      %slice3A_110 = vector.extract_strided_slice %add3A_89 {offsets = [0, 384], sizes = [1024, 128], strides = [1, 1]} : vector<1024x512xf32> to vector<1024x128xf32>
      %tanh3A_111 = math.tanh %slice3A_110 : vector<1024x128xf32>
      %mul3A_112 = arith.mulf %tanh3A_107, %get3A_105 : vector<1024x128xf32>
      %add3A_113 = arith.addf %mul3A_112, %get3A_105 : vector<1024x128xf32>
      %mul3A_114 = arith.mulf %tanh3A, %tanh3A_109 : vector<1024x128xf32>
      %add3A_115 = arith.addf %mul3A_114, %tanh3A_109 : vector<1024x128xf32>
      %add3A_116 = arith.addf %add3A_113, %add3A_115 : vector<1024x128xf32>
      %mul3A_117 = arith.constant 5.000000e-01 : f32
      %mul3A_118 = vector.broadcast %mul3A_117 : f32 to vector<1024x128xf32>
      %mul3A_119 = arith.mulf %mul3A_118, %add3A_116 : vector<1024x128xf32>
      %tanh3A_120 = math.tanh %mul3A_119 : vector<1024x128xf32>
      %mul3A_121 = arith.mulf %tanh3A_111, %tanh3A_120 : vector<1024x128xf32>
      %add3A_122 = arith.addf %mul3A_121, %tanh3A_120 : vector<1024x128xf32>
      %mul3A_123 = arith.constant 5.000000e-01 : f32
      %mul3A_124 = vector.broadcast %mul3A_123 : f32 to vector<1024x128xf32>
      %mul3A_125 = arith.mulf %mul3A_124, %add3A_122 : vector<1024x128xf32>
      %get3A_126 = arith.constant 0 : index
      %get3A_127 = arith.constant 0 : index
      %get3A_128 = vector.load %arg20[%get3A_126, %get3A_127] : memref<1024x128xf32, #tpu.memory_space<vmem>>, vector<1024x128xf32>
      %slice3A_129 = vector.extract_strided_slice %add3A_102 {offsets = [0, 0], sizes = [1024, 128], strides = [1, 1]} : vector<1024x512xf32> to vector<1024x128xf32>
      %tanh3A_130 = math.tanh %slice3A_129 : vector<1024x128xf32>
      %slice3A_131 = vector.extract_strided_slice %add3A_102 {offsets = [0, 128], sizes = [1024, 128], strides = [1, 1]} : vector<1024x512xf32> to vector<1024x128xf32>
      %tanh3A_132 = math.tanh %slice3A_131 : vector<1024x128xf32>
      %slice3A_133 = vector.extract_strided_slice %add3A_102 {offsets = [0, 256], sizes = [1024, 128], strides = [1, 1]} : vector<1024x512xf32> to vector<1024x128xf32>
      %tanh3A_134 = math.tanh %slice3A_133 : vector<1024x128xf32>
      %slice3A_135 = vector.extract_strided_slice %add3A_102 {offsets = [0, 384], sizes = [1024, 128], strides = [1, 1]} : vector<1024x512xf32> to vector<1024x128xf32>
      %tanh3A_136 = math.tanh %slice3A_135 : vector<1024x128xf32>
      %mul3A_137 = arith.mulf %tanh3A_132, %get3A_128 : vector<1024x128xf32>
      %add3A_138 = arith.addf %mul3A_137, %get3A_128 : vector<1024x128xf32>
      %mul3A_139 = arith.mulf %tanh3A_130, %tanh3A_134 : vector<1024x128xf32>
      %add3A_140 = arith.addf %mul3A_139, %tanh3A_134 : vector<1024x128xf32>
      %add3A_141 = arith.addf %add3A_138, %add3A_140 : vector<1024x128xf32>
      %mul3A_142 = arith.constant 5.000000e-01 : f32
      %mul3A_143 = vector.broadcast %mul3A_142 : f32 to vector<1024x128xf32>
      %mul3A_144 = arith.mulf %mul3A_143, %add3A_141 : vector<1024x128xf32>
      %tanh3A_145 = math.tanh %mul3A_144 : vector<1024x128xf32>
      %mul3A_146 = arith.mulf %tanh3A_136, %tanh3A_145 : vector<1024x128xf32>
      %add3A_147 = arith.addf %mul3A_146, %tanh3A_145 : vector<1024x128xf32>
      %mul3A_148 = arith.constant 5.000000e-01 : f32
      %mul3A_149 = vector.broadcast %mul3A_148 : f32 to vector<1024x128xf32>
      %mul3A_150 = arith.mulf %mul3A_149, %add3A_147 : vector<1024x128xf32>
      %convert_element_type3A_151 = arith.truncf %mul3A_125 : vector<1024x128xf32> to vector<1024x128xbf16>
      %convert_element_type3A_152 = arith.truncf %mul3A_150 : vector<1024x128xf32> to vector<1024x128xbf16>
      %swap3A_153 = arith.index_cast %mul3A_59 : i32 to index
      %swap3A_154 = arith.constant 0 : index
      %swap3A_155 = arith.constant 0 : index
      %swap3A_156 = vector.load %arg16[%swap3A_153, %swap3A_154, %swap3A_155] : memref<50x1024x256xbf16, #tpu.memory_space<vmem>>, vector<1x1024x128xbf16>
      %swap3A_157 = vector.shape_cast %swap3A_156 : vector<1x1024x128xbf16> to vector<1024x128xbf16>
      %swap3A_158 = vector.shape_cast %convert_element_type3A_151 : vector<1024x128xbf16> to vector<1x1024x128xbf16>
      tpu.vector_store %arg16[%swap3A_153, %swap3A_154, %swap3A_155], %swap3A_158 {strides = array<i32>} : memref<50x1024x256xbf16, #tpu.memory_space<vmem>>, vector<1x1024x128xbf16>,
      %swap3A_159 = arith.index_cast %sub3A_60 : i32 to index
      %swap3A_160 = arith.constant 0 : index
      %swap3A_161 = arith.constant 128 : index
      %swap3A_162 = vector.load %arg16[%swap3A_159, %swap3A_160, %swap3A_161] : memref<50x1024x256xbf16, #tpu.memory_space<vmem>>, vector<1x1024x128xbf16>
      %swap3A_163 = vector.shape_cast %swap3A_162 : vector<1x1024x128xbf16> to vector<1024x128xbf16>
      %swap3A_164 = vector.shape_cast %convert_element_type3A_152 : vector<1024x128xbf16> to vector<1x1024x128xbf16>
      tpu.vector_store %arg16[%swap3A_159, %swap3A_160, %swap3A_161], %swap3A_164 {strides = array<i32>} : memref<50x1024x256xbf16, #tpu.memory_space<vmem>>, vector<1x1024x128xbf16>,
      %swap3A_165 = arith.constant 0 : index
      %swap3A_166 = arith.constant 128 : index
      %swap3A_167 = vector.load %arg17[%swap3A_165, %swap3A_166] : memref<1024x256xbf16, #tpu.memory_space<vmem>>, vector<1024x128xbf16>
      tpu.vector_store %arg17[%swap3A_165, %swap3A_166], %convert_element_type3A_151 {strides = array<i32>} : memref<1024x256xbf16, #tpu.memory_space<vmem>>, vector<1024x128xbf16>,
      %swap3A_168 = arith.constant 0 : index
      %swap3A_169 = arith.constant 128 : index
      %swap3A_170 = vector.load %arg18[%swap3A_168, %swap3A_169] : memref<1024x256xbf16, #tpu.memory_space<vmem>>, vector<1024x128xbf16>
      tpu.vector_store %arg18[%swap3A_168, %swap3A_169], %convert_element_type3A_152 {strides = array<i32>} : memref<1024x256xbf16, #tpu.memory_space<vmem>>, vector<1024x128xbf16>,
      %swap3A_171 = arith.constant 0 : index
      %swap3A_172 = arith.constant 0 : index
      %swap3A_173 = vector.load %arg19[%swap3A_171, %swap3A_172] : memref<1024x128xf32, #tpu.memory_space<vmem>>, vector<1024x128xf32>
      tpu.vector_store %arg19[%swap3A_171, %swap3A_172], %mul3A_119 {strides = array<i32>} : memref<1024x128xf32, #tpu.memory_space<vmem>>, vector<1024x128xf32>,
      %swap3A_174 = arith.constant 0 : index
      %swap3A_175 = arith.constant 0 : index
      %swap3A_176 = vector.load %arg20[%swap3A_174, %swap3A_175] : memref<1024x128xf32, #tpu.memory_space<vmem>>, vector<1024x128xf32>
      tpu.vector_store %arg20[%swap3A_174, %swap3A_175], %mul3A_144 {strides = array<i32>} : memref<1024x128xf32, #tpu.memory_space<vmem>>, vector<1024x128xf32>,
      %mul3A_177 = arith.constant 2 : i32
      %mul3A_178 = arith.muli %mul3A_177, %scan3A_58 : i32
      %add3A_179 = arith.constant 1 : i32
      %add3A_180 = arith.addi %mul3A_178, %add3A_179 : i32
      %sub3A_181 = arith.constant 49 : i32
      %sub3A_182 = arith.subi %sub3A_181, %add3A_180 : i32
      %get3A_183 = arith.index_cast %add3A_180 : i32 to index
      %get3A_184 = arith.constant 0 : index
      %get3A_185 = arith.constant 0 : index
      %get3A_186 = vector.load %arg1[%get3A_183, %get3A_184, %get3A_185] : memref<50x1024x128xbf16, #tpu.memory_space<vmem>>, vector<1x1024x128xbf16>
      %get3A_187 = vector.shape_cast %get3A_186 : vector<1x1024x128xbf16> to vector<1024x128xbf16>
      %swap3A_188 = arith.constant 0 : index
      %swap3A_189 = arith.constant 0 : index
      %swap3A_190 = vector.load %arg17[%swap3A_188, %swap3A_189] : memref<1024x256xbf16, #tpu.memory_space<vmem>>, vector<1024x128xbf16>
      tpu.vector_store %arg17[%swap3A_188, %swap3A_189], %get3A_187 {strides = array<i32>} : memref<1024x256xbf16, #tpu.memory_space<vmem>>, vector<1024x128xbf16>,
      %get3A_191 = arith.index_cast %sub3A_182 : i32 to index
      %get3A_192 = arith.constant 0 : index
      %get3A_193 = arith.constant 0 : index
      %get3A_194 = vector.load %arg1[%get3A_191, %get3A_192, %get3A_193] : memref<50x1024x128xbf16, #tpu.memory_space<vmem>>, vector<1x1024x128xbf16>
      %get3A_195 = vector.shape_cast %get3A_194 : vector<1x1024x128xbf16> to vector<1024x128xbf16>
      %swap3A_196 = arith.constant 0 : index
      %swap3A_197 = arith.constant 0 : index
      %swap3A_198 = vector.load %arg18[%swap3A_196, %swap3A_197] : memref<1024x256xbf16, #tpu.memory_space<vmem>>, vector<1024x128xbf16>
      tpu.vector_store %arg18[%swap3A_196, %swap3A_197], %get3A_195 {strides = array<i32>} : memref<1024x256xbf16, #tpu.memory_space<vmem>>, vector<1024x128xbf16>,
      %get3A_199 = arith.constant 0 : index
      %get3A_200 = arith.constant 0 : index
      %get3A_201 = vector.load %arg17[%get3A_199, %get3A_200] : memref<1024x256xbf16, #tpu.memory_space<vmem>>, vector<1024x256xbf16>
      %get3A_202 = arith.constant 0 : index
      %get3A_203 = arith.constant 0 : index
      %get3A_204 = vector.load %arg2[%get3A_202, %get3A_203] : memref<256x512xbf16, #tpu.memory_space<vmem>>, vector<256x512xbf16>
      %dot_general3A_205 = arith.constant dense<0.000000e+00> : vector<1024x512xf32>
      %dot_general3A_206 = tpu.matmul %get3A_201, %get3A_204, %dot_general3A_205 {dimension_numbers = #tpu.dot_dimension_numbers<[1], [0], [0], [1], [0, 0, 1, 1], [], []>, transpose_lhs_hint = false} : vector<1024x256xbf16>, vector<256x512xbf16>, vector<1024x512xf32> -> vector<1024x512xf32>
      %get3A_207 = arith.constant 0 : index
      %get3A_208 = arith.constant 0 : index
      %get3A_209 = vector.load %arg3[%get3A_207, %get3A_208] : memref<1x512xf32, #tpu.memory_space<vmem>>, vector<1x512xf32>
      %add3A_210 = vector.broadcast %get3A_209 : vector<1x512xf32> to vector<1024x512xf32>
      %add3A_211 = arith.addf %dot_general3A_206, %add3A_210 : vector<1024x512xf32>
      %get3A_212 = arith.constant 0 : index
      %get3A_213 = arith.constant 0 : index
      %get3A_214 = vector.load %arg18[%get3A_212, %get3A_213] : memref<1024x256xbf16, #tpu.memory_space<vmem>>, vector<1024x256xbf16>
      %get3A_215 = arith.constant 0 : index
      %get3A_216 = arith.constant 0 : index
      %get3A_217 = vector.load %arg4[%get3A_215, %get3A_216] : memref<256x512xbf16, #tpu.memory_space<vmem>>, vector<256x512xbf16>
      %dot_general3A_218 = arith.constant dense<0.000000e+00> : vector<1024x512xf32>
      %dot_general3A_219 = tpu.matmul %get3A_214, %get3A_217, %dot_general3A_218 {dimension_numbers = #tpu.dot_dimension_numbers<[1], [0], [0], [1], [0, 0, 1, 1], [], []>, transpose_lhs_hint = false} : vector<1024x256xbf16>, vector<256x512xbf16>, vector<1024x512xf32> -> vector<1024x512xf32>
      %get3A_220 = arith.constant 0 : index
      %get3A_221 = arith.constant 0 : index
      %get3A_222 = vector.load %arg5[%get3A_220, %get3A_221] : memref<1x512xf32, #tpu.memory_space<vmem>>, vector<1x512xf32>
      %add3A_223 = vector.broadcast %get3A_222 : vector<1x512xf32> to vector<1024x512xf32>
      %add3A_224 = arith.addf %dot_general3A_219, %add3A_223 : vector<1024x512xf32>
      %get3A_225 = arith.constant 0 : index
      %get3A_226 = arith.constant 0 : index
      %get3A_227 = vector.load %arg19[%get3A_225, %get3A_226] : memref<1024x128xf32, #tpu.memory_space<vmem>>, vector<1024x128xf32>
      %slice3A_228 = vector.extract_strided_slice %add3A_211 {offsets = [0, 0], sizes = [1024, 128], strides = [1, 1]} : vector<1024x512xf32> to vector<1024x128xf32>
      %tanh3A_229 = math.tanh %slice3A_228 : vector<1024x128xf32>
      %slice3A_230 = vector.extract_strided_slice %add3A_211 {offsets = [0, 128], sizes = [1024, 128], strides = [1, 1]} : vector<1024x512xf32> to vector<1024x128xf32>
      %tanh3A_231 = math.tanh %slice3A_230 : vector<1024x128xf32>
      %slice3A_232 = vector.extract_strided_slice %add3A_211 {offsets = [0, 256], sizes = [1024, 128], strides = [1, 1]} : vector<1024x512xf32> to vector<1024x128xf32>
      %tanh3A_233 = math.tanh %slice3A_232 : vector<1024x128xf32>
      %slice3A_234 = vector.extract_strided_slice %add3A_211 {offsets = [0, 384], sizes = [1024, 128], strides = [1, 1]} : vector<1024x512xf32> to vector<1024x128xf32>
      %tanh3A_235 = math.tanh %slice3A_234 : vector<1024x128xf32>
      %mul3A_236 = arith.mulf %tanh3A_231, %get3A_227 : vector<1024x128xf32>
      %add3A_237 = arith.addf %mul3A_236, %get3A_227 : vector<1024x128xf32>
      %mul3A_238 = arith.mulf %tanh3A_229, %tanh3A_233 : vector<1024x128xf32>
      %add3A_239 = arith.addf %mul3A_238, %tanh3A_233 : vector<1024x128xf32>
      %add3A_240 = arith.addf %add3A_237, %add3A_239 : vector<1024x128xf32>
      %mul3A_241 = arith.constant 5.000000e-01 : f32
      %mul3A_242 = vector.broadcast %mul3A_241 : f32 to vector<1024x128xf32>
      %mul3A_243 = arith.mulf %mul3A_242, %add3A_240 : vector<1024x128xf32>
      %tanh3A_244 = math.tanh %mul3A_243 : vector<1024x128xf32>
      %mul3A_245 = arith.mulf %tanh3A_235, %tanh3A_244 : vector<1024x128xf32>
      %add3A_246 = arith.addf %mul3A_245, %tanh3A_244 : vector<1024x128xf32>
      %mul3A_247 = arith.constant 5.000000e-01 : f32
      %mul3A_248 = vector.broadcast %mul3A_247 : f32 to vector<1024x128xf32>
      %mul3A_249 = arith.mulf %mul3A_248, %add3A_246 : vector<1024x128xf32>
      %get3A_250 = arith.constant 0 : index
      %get3A_251 = arith.constant 0 : index
      %get3A_252 = vector.load %arg20[%get3A_250, %get3A_251] : memref<1024x128xf32, #tpu.memory_space<vmem>>, vector<1024x128xf32>
      %slice3A_253 = vector.extract_strided_slice %add3A_224 {offsets = [0, 0], sizes = [1024, 128], strides = [1, 1]} : vector<1024x512xf32> to vector<1024x128xf32>
      %tanh3A_254 = math.tanh %slice3A_253 : vector<1024x128xf32>
      %slice3A_255 = vector.extract_strided_slice %add3A_224 {offsets = [0, 128], sizes = [1024, 128], strides = [1, 1]} : vector<1024x512xf32> to vector<1024x128xf32>
      %tanh3A_256 = math.tanh %slice3A_255 : vector<1024x128xf32>
      %slice3A_257 = vector.extract_strided_slice %add3A_224 {offsets = [0, 256], sizes = [1024, 128], strides = [1, 1]} : vector<1024x512xf32> to vector<1024x128xf32>
      %tanh3A_258 = math.tanh %slice3A_257 : vector<1024x128xf32>
      %slice3A_259 = vector.extract_strided_slice %add3A_224 {offsets = [0, 384], sizes = [1024, 128], strides = [1, 1]} : vector<1024x512xf32> to vector<1024x128xf32>
      %tanh3A_260 = math.tanh %slice3A_259 : vector<1024x128xf32>
      %mul3A_261 = arith.mulf %tanh3A_256, %get3A_252 : vector<1024x128xf32>
      %add3A_262 = arith.addf %mul3A_261, %get3A_252 : vector<1024x128xf32>
      %mul3A_263 = arith.mulf %tanh3A_254, %tanh3A_258 : vector<1024x128xf32>
      %add3A_264 = arith.addf %mul3A_263, %tanh3A_258 : vector<1024x128xf32>
      %add3A_265 = arith.addf %add3A_262, %add3A_264 : vector<1024x128xf32>
      %mul3A_266 = arith.constant 5.000000e-01 : f32
      %mul3A_267 = vector.broadcast %mul3A_266 : f32 to vector<1024x128xf32>
      %mul3A_268 = arith.mulf %mul3A_267, %add3A_265 : vector<1024x128xf32>
      %tanh3A_269 = math.tanh %mul3A_268 : vector<1024x128xf32>
      %mul3A_270 = arith.mulf %tanh3A_260, %tanh3A_269 : vector<1024x128xf32>
      %add3A_271 = arith.addf %mul3A_270, %tanh3A_269 : vector<1024x128xf32>
      %mul3A_272 = arith.constant 5.000000e-01 : f32
      %mul3A_273 = vector.broadcast %mul3A_272 : f32 to vector<1024x128xf32>
      %mul3A_274 = arith.mulf %mul3A_273, %add3A_271 : vector<1024x128xf32>
      %convert_element_type3A_275 = arith.truncf %mul3A_249 : vector<1024x128xf32> to vector<1024x128xbf16>
      %convert_element_type3A_276 = arith.truncf %mul3A_274 : vector<1024x128xf32> to vector<1024x128xbf16>
      %swap3A_277 = arith.index_cast %add3A_180 : i32 to index
      %swap3A_278 = arith.constant 0 : index
      %swap3A_279 = arith.constant 0 : index
      %swap3A_280 = vector.load %arg16[%swap3A_277, %swap3A_278, %swap3A_279] : memref<50x1024x256xbf16, #tpu.memory_space<vmem>>, vector<1x1024x128xbf16>
      %swap3A_281 = vector.shape_cast %swap3A_280 : vector<1x1024x128xbf16> to vector<1024x128xbf16>
      %swap3A_282 = vector.shape_cast %convert_element_type3A_275 : vector<1024x128xbf16> to vector<1x1024x128xbf16>
      tpu.vector_store %arg16[%swap3A_277, %swap3A_278, %swap3A_279], %swap3A_282 {strides = array<i32>} : memref<50x1024x256xbf16, #tpu.memory_space<vmem>>, vector<1x1024x128xbf16>,
      %swap3A_283 = arith.index_cast %sub3A_182 : i32 to index
      %swap3A_284 = arith.constant 0 : index
      %swap3A_285 = arith.constant 128 : index
      %swap3A_286 = vector.load %arg16[%swap3A_283, %swap3A_284, %swap3A_285] : memref<50x1024x256xbf16, #tpu.memory_space<vmem>>, vector<1x1024x128xbf16>
      %swap3A_287 = vector.shape_cast %swap3A_286 : vector<1x1024x128xbf16> to vector<1024x128xbf16>
      %swap3A_288 = vector.shape_cast %convert_element_type3A_276 : vector<1024x128xbf16> to vector<1x1024x128xbf16>
      tpu.vector_store %arg16[%swap3A_283, %swap3A_284, %swap3A_285], %swap3A_288 {strides = array<i32>} : memref<50x1024x256xbf16, #tpu.memory_space<vmem>>, vector<1x1024x128xbf16>,
      %swap3A_289 = arith.constant 0 : index
      %swap3A_290 = arith.constant 128 : index
      %swap3A_291 = vector.load %arg17[%swap3A_289, %swap3A_290] : memref<1024x256xbf16, #tpu.memory_space<vmem>>, vector<1024x128xbf16>
      tpu.vector_store %arg17[%swap3A_289, %swap3A_290], %convert_element_type3A_275 {strides = array<i32>} : memref<1024x256xbf16, #tpu.memory_space<vmem>>, vector<1024x128xbf16>,
      %swap3A_292 = arith.constant 0 : index
      %swap3A_293 = arith.constant 128 : index
      %swap3A_294 = vector.load %arg18[%swap3A_292, %swap3A_293] : memref<1024x256xbf16, #tpu.memory_space<vmem>>, vector<1024x128xbf16>
      tpu.vector_store %arg18[%swap3A_292, %swap3A_293], %convert_element_type3A_276 {strides = array<i32>} : memref<1024x256xbf16, #tpu.memory_space<vmem>>, vector<1024x128xbf16>,
      %swap3A_295 = arith.constant 0 : index
      %swap3A_296 = arith.constant 0 : index
      %swap3A_297 = vector.load %arg19[%swap3A_295, %swap3A_296] : memref<1024x128xf32, #tpu.memory_space<vmem>>, vector<1024x128xf32>
      tpu.vector_store %arg19[%swap3A_295, %swap3A_296], %mul3A_243 {strides = array<i32>} : memref<1024x128xf32, #tpu.memory_space<vmem>>, vector<1024x128xf32>,
      %swap3A_298 = arith.constant 0 : index
      %swap3A_299 = arith.constant 0 : index
      %swap3A_300 = vector.load %arg20[%swap3A_298, %swap3A_299] : memref<1024x128xf32, #tpu.memory_space<vmem>>, vector<1024x128xf32>
      tpu.vector_store %arg20[%swap3A_298, %swap3A_299], %mul3A_268 {strides = array<i32>} : memref<1024x128xf32, #tpu.memory_space<vmem>>, vector<1024x128xf32>,
    }
    %scan3A_17 = arith.constant 25 : i32
    %swap3A_18 = arith.constant 0 : index
    %swap3A_19 = arith.constant 0 : index
    %swap3A_20 = vector.load %arg21[%swap3A_18, %swap3A_19] : memref<1024x128xbf16, #tpu.memory_space<vmem>>, vector<1024x128xbf16>
    tpu.vector_store %arg21[%swap3A_18, %swap3A_19], %broadcast_in_dim3A_0 {strides = array<i32>} : memref<1024x128xbf16, #tpu.memory_space<vmem>>, vector<1024x128xbf16>,
    %swap3A_21 = arith.constant 0 : index
    %swap3A_22 = arith.constant 0 : index
    %swap3A_23 = vector.load %arg22[%swap3A_21, %swap3A_22] : memref<1024x128xbf16, #tpu.memory_space<vmem>>, vector<1024x128xbf16>
    tpu.vector_store %arg22[%swap3A_21, %swap3A_22], %broadcast_in_dim3A_0 {strides = array<i32>} : memref<1024x128xbf16, #tpu.memory_space<vmem>>, vector<1024x128xbf16>,
    %swap3A_24 = arith.constant 0 : index
    %swap3A_25 = arith.constant 0 : index
    %swap3A_26 = vector.load %arg19[%swap3A_24, %swap3A_25] : memref<1024x128xf32, #tpu.memory_space<vmem>>, vector<1024x128xf32>
    tpu.vector_store %arg19[%swap3A_24, %swap3A_25], %broadcast_in_dim3A_2 {strides = array<i32>} : memref<1024x128xf32, #tpu.memory_space<vmem>>, vector<1024x128xf32>,
    %swap3A_27 = arith.constant 0 : index
    %swap3A_28 = arith.constant 0 : index
    %swap3A_29 = vector.load %arg20[%swap3A_27, %swap3A_28] : memref<1024x128xf32, #tpu.memory_space<vmem>>, vector<1024x128xf32>
    tpu.vector_store %arg20[%swap3A_27, %swap3A_28], %broadcast_in_dim3A_2 {strides = array<i32>} : memref<1024x128xf32, #tpu.memory_space<vmem>>, vector<1024x128xf32>,
    %scan3A_30 = arith.constant 0 : i32
    %scan3A_31 = arith.constant 25 : i32
    %scan3A_32 = arith.addi %scan3A_30, %scan3A_31 : i32
    %scan3A_33 = arith.constant 1 : i32
    scf.for %scan3A_58 = %scan3A_30 to %scan3A_32 step %scan3A_33  : i32 {
      %mul3A = arith.constant 2 : i32
      %mul3A_59 = arith.muli %mul3A, %scan3A_58 : i32
      %sub3A = arith.constant 49 : i32
      %sub3A_60 = arith.subi %sub3A, %mul3A_59 : i32
      %get3A_61 = arith.index_cast %mul3A_59 : i32 to index
      %get3A_62 = arith.constant 0 : index
      %get3A_63 = arith.constant 0 : index
      %get3A_64 = vector.load %arg16[%get3A_61, %get3A_62, %get3A_63] : memref<50x1024x256xbf16, #tpu.memory_space<vmem>>, vector<1x1024x256xbf16>
      %get3A_65 = vector.shape_cast %get3A_64 : vector<1x1024x256xbf16> to vector<1024x256xbf16>
      %get3A_66 = arith.constant 0 : index
      %get3A_67 = arith.constant 0 : index
      %get3A_68 = vector.load %arg6[%get3A_66, %get3A_67] : memref<256x512xbf16, #tpu.memory_space<vmem>>, vector<256x512xbf16>
      %dot_general3A_69 = arith.constant dense<0.000000e+00> : vector<1024x512xf32>
      %dot_general3A_70 = tpu.matmul %get3A_65, %get3A_68, %dot_general3A_69 {dimension_numbers = #tpu.dot_dimension_numbers<[1], [0], [0], [1], [0, 0, 1, 1], [], []>, transpose_lhs_hint = false} : vector<1024x256xbf16>, vector<256x512xbf16>, vector<1024x512xf32> -> vector<1024x512xf32>
      %get3A_71 = arith.constant 0 : index
      %get3A_72 = arith.constant 0 : index
      %get3A_73 = vector.load %arg21[%get3A_71, %get3A_72] : memref<1024x128xbf16, #tpu.memory_space<vmem>>, vector<1024x128xbf16>
      %get3A_74 = arith.constant 0 : index
      %get3A_75 = arith.constant 0 : index
      %get3A_76 = vector.load %arg7[%get3A_74, %get3A_75] : memref<128x512xbf16, #tpu.memory_space<vmem>>, vector<128x512xbf16>
      %dot_general3A_77 = arith.constant dense<0.000000e+00> : vector<1024x512xf32>
      %dot_general3A_78 = tpu.matmul %get3A_73, %get3A_76, %dot_general3A_77 {dimension_numbers = #tpu.dot_dimension_numbers<[1], [0], [0], [1], [0, 0, 1, 1], [], []>, transpose_lhs_hint = false} : vector<1024x128xbf16>, vector<128x512xbf16>, vector<1024x512xf32> -> vector<1024x512xf32>
      %add3A_79 = arith.addf %dot_general3A_70, %dot_general3A_78 : vector<1024x512xf32>
      %get3A_80 = arith.constant 0 : index
      %get3A_81 = arith.constant 0 : index
      %get3A_82 = vector.load %arg8[%get3A_80, %get3A_81] : memref<1x512xf32, #tpu.memory_space<vmem>>, vector<1x512xf32>
      %add3A_83 = vector.broadcast %get3A_82 : vector<1x512xf32> to vector<1024x512xf32>
      %add3A_84 = arith.addf %add3A_79, %add3A_83 : vector<1024x512xf32>
      %get3A_85 = arith.index_cast %sub3A_60 : i32 to index
      %get3A_86 = arith.constant 0 : index
      %get3A_87 = arith.constant 0 : index
      %get3A_88 = vector.load %arg16[%get3A_85, %get3A_86, %get3A_87] : memref<50x1024x256xbf16, #tpu.memory_space<vmem>>, vector<1x1024x256xbf16>
      %get3A_89 = vector.shape_cast %get3A_88 : vector<1x1024x256xbf16> to vector<1024x256xbf16>
      %get3A_90 = arith.constant 0 : index
      %get3A_91 = arith.constant 0 : index
      %get3A_92 = vector.load %arg9[%get3A_90, %get3A_91] : memref<256x512xbf16, #tpu.memory_space<vmem>>, vector<256x512xbf16>
      %dot_general3A_93 = arith.constant dense<0.000000e+00> : vector<1024x512xf32>
      %dot_general3A_94 = tpu.matmul %get3A_89, %get3A_92, %dot_general3A_93 {dimension_numbers = #tpu.dot_dimension_numbers<[1], [0], [0], [1], [0, 0, 1, 1], [], []>, transpose_lhs_hint = false} : vector<1024x256xbf16>, vector<256x512xbf16>, vector<1024x512xf32> -> vector<1024x512xf32>
      %get3A_95 = arith.constant 0 : index
      %get3A_96 = arith.constant 0 : index
      %get3A_97 = vector.load %arg22[%get3A_95, %get3A_96] : memref<1024x128xbf16, #tpu.memory_space<vmem>>, vector<1024x128xbf16>
      %get3A_98 = arith.constant 0 : index
      %get3A_99 = arith.constant 0 : index
      %get3A_100 = vector.load %arg10[%get3A_98, %get3A_99] : memref<128x512xbf16, #tpu.memory_space<vmem>>, vector<128x512xbf16>
      %dot_general3A_101 = arith.constant dense<0.000000e+00> : vector<1024x512xf32>
      %dot_general3A_102 = tpu.matmul %get3A_97, %get3A_100, %dot_general3A_101 {dimension_numbers = #tpu.dot_dimension_numbers<[1], [0], [0], [1], [0, 0, 1, 1], [], []>, transpose_lhs_hint = false} : vector<1024x128xbf16>, vector<128x512xbf16>, vector<1024x512xf32> -> vector<1024x512xf32>
      %add3A_103 = arith.addf %dot_general3A_94, %dot_general3A_102 : vector<1024x512xf32>
      %get3A_104 = arith.constant 0 : index
      %get3A_105 = arith.constant 0 : index
      %get3A_106 = vector.load %arg11[%get3A_104, %get3A_105] : memref<1x512xf32, #tpu.memory_space<vmem>>, vector<1x512xf32>
      %add3A_107 = vector.broadcast %get3A_106 : vector<1x512xf32> to vector<1024x512xf32>
      %add3A_108 = arith.addf %add3A_103, %add3A_107 : vector<1024x512xf32>
      %get3A_109 = arith.constant 0 : index
      %get3A_110 = arith.constant 0 : index
      %get3A_111 = vector.load %arg19[%get3A_109, %get3A_110] : memref<1024x128xf32, #tpu.memory_space<vmem>>, vector<1024x128xf32>
      %slice3A = vector.extract_strided_slice %add3A_84 {offsets = [0, 0], sizes = [1024, 128], strides = [1, 1]} : vector<1024x512xf32> to vector<1024x128xf32>
      %tanh3A = math.tanh %slice3A : vector<1024x128xf32>
      %slice3A_112 = vector.extract_strided_slice %add3A_84 {offsets = [0, 128], sizes = [1024, 128], strides = [1, 1]} : vector<1024x512xf32> to vector<1024x128xf32>
      %tanh3A_113 = math.tanh %slice3A_112 : vector<1024x128xf32>
      %slice3A_114 = vector.extract_strided_slice %add3A_84 {offsets = [0, 256], sizes = [1024, 128], strides = [1, 1]} : vector<1024x512xf32> to vector<1024x128xf32>
      %tanh3A_115 = math.tanh %slice3A_114 : vector<1024x128xf32>
      %slice3A_116 = vector.extract_strided_slice %add3A_84 {offsets = [0, 384], sizes = [1024, 128], strides = [1, 1]} : vector<1024x512xf32> to vector<1024x128xf32>
      %tanh3A_117 = math.tanh %slice3A_116 : vector<1024x128xf32>
      %mul3A_118 = arith.mulf %tanh3A_113, %get3A_111 : vector<1024x128xf32>
      %add3A_119 = arith.addf %mul3A_118, %get3A_111 : vector<1024x128xf32>
      %mul3A_120 = arith.mulf %tanh3A, %tanh3A_115 : vector<1024x128xf32>
      %add3A_121 = arith.addf %mul3A_120, %tanh3A_115 : vector<1024x128xf32>
      %add3A_122 = arith.addf %add3A_119, %add3A_121 : vector<1024x128xf32>
      %mul3A_123 = arith.constant 5.000000e-01 : f32
      %mul3A_124 = vector.broadcast %mul3A_123 : f32 to vector<1024x128xf32>
      %mul3A_125 = arith.mulf %mul3A_124, %add3A_122 : vector<1024x128xf32>
      %tanh3A_126 = math.tanh %mul3A_125 : vector<1024x128xf32>
      %mul3A_127 = arith.mulf %tanh3A_117, %tanh3A_126 : vector<1024x128xf32>
      %add3A_128 = arith.addf %mul3A_127, %tanh3A_126 : vector<1024x128xf32>
      %mul3A_129 = arith.constant 5.000000e-01 : f32
      %mul3A_130 = vector.broadcast %mul3A_129 : f32 to vector<1024x128xf32>
      %mul3A_131 = arith.mulf %mul3A_130, %add3A_128 : vector<1024x128xf32>
      %get3A_132 = arith.constant 0 : index
      %get3A_133 = arith.constant 0 : index
      %get3A_134 = vector.load %arg20[%get3A_132, %get3A_133] : memref<1024x128xf32, #tpu.memory_space<vmem>>, vector<1024x128xf32>
      %slice3A_135 = vector.extract_strided_slice %add3A_108 {offsets = [0, 0], sizes = [1024, 128], strides = [1, 1]} : vector<1024x512xf32> to vector<1024x128xf32>
      %tanh3A_136 = math.tanh %slice3A_135 : vector<1024x128xf32>
      %slice3A_137 = vector.extract_strided_slice %add3A_108 {offsets = [0, 128], sizes = [1024, 128], strides = [1, 1]} : vector<1024x512xf32> to vector<1024x128xf32>
      %tanh3A_138 = math.tanh %slice3A_137 : vector<1024x128xf32>
      %slice3A_139 = vector.extract_strided_slice %add3A_108 {offsets = [0, 256], sizes = [1024, 128], strides = [1, 1]} : vector<1024x512xf32> to vector<1024x128xf32>
      %tanh3A_140 = math.tanh %slice3A_139 : vector<1024x128xf32>
      %slice3A_141 = vector.extract_strided_slice %add3A_108 {offsets = [0, 384], sizes = [1024, 128], strides = [1, 1]} : vector<1024x512xf32> to vector<1024x128xf32>
      %tanh3A_142 = math.tanh %slice3A_141 : vector<1024x128xf32>
      %mul3A_143 = arith.mulf %tanh3A_138, %get3A_134 : vector<1024x128xf32>
      %add3A_144 = arith.addf %mul3A_143, %get3A_134 : vector<1024x128xf32>
      %mul3A_145 = arith.mulf %tanh3A_136, %tanh3A_140 : vector<1024x128xf32>
      %add3A_146 = arith.addf %mul3A_145, %tanh3A_140 : vector<1024x128xf32>
      %add3A_147 = arith.addf %add3A_144, %add3A_146 : vector<1024x128xf32>
      %mul3A_148 = arith.constant 5.000000e-01 : f32
      %mul3A_149 = vector.broadcast %mul3A_148 : f32 to vector<1024x128xf32>
      %mul3A_150 = arith.mulf %mul3A_149, %add3A_147 : vector<1024x128xf32>
      %tanh3A_151 = math.tanh %mul3A_150 : vector<1024x128xf32>
      %mul3A_152 = arith.mulf %tanh3A_142, %tanh3A_151 : vector<1024x128xf32>
      %add3A_153 = arith.addf %mul3A_152, %tanh3A_151 : vector<1024x128xf32>
      %mul3A_154 = arith.constant 5.000000e-01 : f32
      %mul3A_155 = vector.broadcast %mul3A_154 : f32 to vector<1024x128xf32>
      %mul3A_156 = arith.mulf %mul3A_155, %add3A_153 : vector<1024x128xf32>
      %convert_element_type3A_157 = arith.truncf %mul3A_131 : vector<1024x128xf32> to vector<1024x128xbf16>
      %swap3A_158 = arith.constant 0 : index
      %swap3A_159 = arith.constant 0 : index
      %swap3A_160 = vector.load %arg21[%swap3A_158, %swap3A_159] : memref<1024x128xbf16, #tpu.memory_space<vmem>>, vector<1024x128xbf16>
      tpu.vector_store %arg21[%swap3A_158, %swap3A_159], %convert_element_type3A_157 {strides = array<i32>} : memref<1024x128xbf16, #tpu.memory_space<vmem>>, vector<1024x128xbf16>,
      %convert_element_type3A_161 = arith.truncf %mul3A_156 : vector<1024x128xf32> to vector<1024x128xbf16>
      %swap3A_162 = arith.constant 0 : index
      %swap3A_163 = arith.constant 0 : index
      %swap3A_164 = vector.load %arg22[%swap3A_162, %swap3A_163] : memref<1024x128xbf16, #tpu.memory_space<vmem>>, vector<1024x128xbf16>
      tpu.vector_store %arg22[%swap3A_162, %swap3A_163], %convert_element_type3A_161 {strides = array<i32>} : memref<1024x128xbf16, #tpu.memory_space<vmem>>, vector<1024x128xbf16>,
      %swap3A_165 = arith.constant 0 : index
      %swap3A_166 = arith.constant 0 : index
      %swap3A_167 = vector.load %arg19[%swap3A_165, %swap3A_166] : memref<1024x128xf32, #tpu.memory_space<vmem>>, vector<1024x128xf32>
      tpu.vector_store %arg19[%swap3A_165, %swap3A_166], %mul3A_125 {strides = array<i32>} : memref<1024x128xf32, #tpu.memory_space<vmem>>, vector<1024x128xf32>,
      %swap3A_168 = arith.constant 0 : index
      %swap3A_169 = arith.constant 0 : index
      %swap3A_170 = vector.load %arg20[%swap3A_168, %swap3A_169] : memref<1024x128xf32, #tpu.memory_space<vmem>>, vector<1024x128xf32>
      tpu.vector_store %arg20[%swap3A_168, %swap3A_169], %mul3A_150 {strides = array<i32>} : memref<1024x128xf32, #tpu.memory_space<vmem>>, vector<1024x128xf32>,
      %mul3A_171 = arith.constant 2 : i32
      %mul3A_172 = arith.muli %mul3A_171, %scan3A_58 : i32
      %add3A_173 = arith.constant 1 : i32
      %add3A_174 = arith.addi %mul3A_172, %add3A_173 : i32
      %sub3A_175 = arith.constant 49 : i32
      %sub3A_176 = arith.subi %sub3A_175, %add3A_174 : i32
      %get3A_177 = arith.index_cast %add3A_174 : i32 to index
      %get3A_178 = arith.constant 0 : index
      %get3A_179 = arith.constant 0 : index
      %get3A_180 = vector.load %arg16[%get3A_177, %get3A_178, %get3A_179] : memref<50x1024x256xbf16, #tpu.memory_space<vmem>>, vector<1x1024x256xbf16>
      %get3A_181 = vector.shape_cast %get3A_180 : vector<1x1024x256xbf16> to vector<1024x256xbf16>
      %get3A_182 = arith.constant 0 : index
      %get3A_183 = arith.constant 0 : index
      %get3A_184 = vector.load %arg6[%get3A_182, %get3A_183] : memref<256x512xbf16, #tpu.memory_space<vmem>>, vector<256x512xbf16>
      %dot_general3A_185 = arith.constant dense<0.000000e+00> : vector<1024x512xf32>
      %dot_general3A_186 = tpu.matmul %get3A_181, %get3A_184, %dot_general3A_185 {dimension_numbers = #tpu.dot_dimension_numbers<[1], [0], [0], [1], [0, 0, 1, 1], [], []>, transpose_lhs_hint = false} : vector<1024x256xbf16>, vector<256x512xbf16>, vector<1024x512xf32> -> vector<1024x512xf32>
      %get3A_187 = arith.constant 0 : index
      %get3A_188 = arith.constant 0 : index
      %get3A_189 = vector.load %arg21[%get3A_187, %get3A_188] : memref<1024x128xbf16, #tpu.memory_space<vmem>>, vector<1024x128xbf16>
      %get3A_190 = arith.constant 0 : index
      %get3A_191 = arith.constant 0 : index
      %get3A_192 = vector.load %arg7[%get3A_190, %get3A_191] : memref<128x512xbf16, #tpu.memory_space<vmem>>, vector<128x512xbf16>
      %dot_general3A_193 = arith.constant dense<0.000000e+00> : vector<1024x512xf32>
      %dot_general3A_194 = tpu.matmul %get3A_189, %get3A_192, %dot_general3A_193 {dimension_numbers = #tpu.dot_dimension_numbers<[1], [0], [0], [1], [0, 0, 1, 1], [], []>, transpose_lhs_hint = false} : vector<1024x128xbf16>, vector<128x512xbf16>, vector<1024x512xf32> -> vector<1024x512xf32>
      %add3A_195 = arith.addf %dot_general3A_186, %dot_general3A_194 : vector<1024x512xf32>
      %get3A_196 = arith.constant 0 : index
      %get3A_197 = arith.constant 0 : index
      %get3A_198 = vector.load %arg8[%get3A_196, %get3A_197] : memref<1x512xf32, #tpu.memory_space<vmem>>, vector<1x512xf32>
      %add3A_199 = vector.broadcast %get3A_198 : vector<1x512xf32> to vector<1024x512xf32>
      %add3A_200 = arith.addf %add3A_195, %add3A_199 : vector<1024x512xf32>
      %get3A_201 = arith.index_cast %sub3A_176 : i32 to index
      %get3A_202 = arith.constant 0 : index
      %get3A_203 = arith.constant 0 : index
      %get3A_204 = vector.load %arg16[%get3A_201, %get3A_202, %get3A_203] : memref<50x1024x256xbf16, #tpu.memory_space<vmem>>, vector<1x1024x256xbf16>
      %get3A_205 = vector.shape_cast %get3A_204 : vector<1x1024x256xbf16> to vector<1024x256xbf16>
      %get3A_206 = arith.constant 0 : index
      %get3A_207 = arith.constant 0 : index
      %get3A_208 = vector.load %arg9[%get3A_206, %get3A_207] : memref<256x512xbf16, #tpu.memory_space<vmem>>, vector<256x512xbf16>
      %dot_general3A_209 = arith.constant dense<0.000000e+00> : vector<1024x512xf32>
      %dot_general3A_210 = tpu.matmul %get3A_205, %get3A_208, %dot_general3A_209 {dimension_numbers = #tpu.dot_dimension_numbers<[1], [0], [0], [1], [0, 0, 1, 1], [], []>, transpose_lhs_hint = false} : vector<1024x256xbf16>, vector<256x512xbf16>, vector<1024x512xf32> -> vector<1024x512xf32>
      %get3A_211 = arith.constant 0 : index
      %get3A_212 = arith.constant 0 : index
      %get3A_213 = vector.load %arg22[%get3A_211, %get3A_212] : memref<1024x128xbf16, #tpu.memory_space<vmem>>, vector<1024x128xbf16>
      %get3A_214 = arith.constant 0 : index
      %get3A_215 = arith.constant 0 : index
      %get3A_216 = vector.load %arg10[%get3A_214, %get3A_215] : memref<128x512xbf16, #tpu.memory_space<vmem>>, vector<128x512xbf16>
      %dot_general3A_217 = arith.constant dense<0.000000e+00> : vector<1024x512xf32>
      %dot_general3A_218 = tpu.matmul %get3A_213, %get3A_216, %dot_general3A_217 {dimension_numbers = #tpu.dot_dimension_numbers<[1], [0], [0], [1], [0, 0, 1, 1], [], []>, transpose_lhs_hint = false} : vector<1024x128xbf16>, vector<128x512xbf16>, vector<1024x512xf32> -> vector<1024x512xf32>
      %add3A_219 = arith.addf %dot_general3A_210, %dot_general3A_218 : vector<1024x512xf32>
      %get3A_220 = arith.constant 0 : index
      %get3A_221 = arith.constant 0 : index
      %get3A_222 = vector.load %arg11[%get3A_220, %get3A_221] : memref<1x512xf32, #tpu.memory_space<vmem>>, vector<1x512xf32>
      %add3A_223 = vector.broadcast %get3A_222 : vector<1x512xf32> to vector<1024x512xf32>
      %add3A_224 = arith.addf %add3A_219, %add3A_223 : vector<1024x512xf32>
      %get3A_225 = arith.constant 0 : index
      %get3A_226 = arith.constant 0 : index
      %get3A_227 = vector.load %arg19[%get3A_225, %get3A_226] : memref<1024x128xf32, #tpu.memory_space<vmem>>, vector<1024x128xf32>
      %slice3A_228 = vector.extract_strided_slice %add3A_200 {offsets = [0, 0], sizes = [1024, 128], strides = [1, 1]} : vector<1024x512xf32> to vector<1024x128xf32>
      %tanh3A_229 = math.tanh %slice3A_228 : vector<1024x128xf32>
      %slice3A_230 = vector.extract_strided_slice %add3A_200 {offsets = [0, 128], sizes = [1024, 128], strides = [1, 1]} : vector<1024x512xf32> to vector<1024x128xf32>
      %tanh3A_231 = math.tanh %slice3A_230 : vector<1024x128xf32>
      %slice3A_232 = vector.extract_strided_slice %add3A_200 {offsets = [0, 256], sizes = [1024, 128], strides = [1, 1]} : vector<1024x512xf32> to vector<1024x128xf32>
      %tanh3A_233 = math.tanh %slice3A_232 : vector<1024x128xf32>
      %slice3A_234 = vector.extract_strided_slice %add3A_200 {offsets = [0, 384], sizes = [1024, 128], strides = [1, 1]} : vector<1024x512xf32> to vector<1024x128xf32>
      %tanh3A_235 = math.tanh %slice3A_234 : vector<1024x128xf32>
      %mul3A_236 = arith.mulf %tanh3A_231, %get3A_227 : vector<1024x128xf32>
      %add3A_237 = arith.addf %mul3A_236, %get3A_227 : vector<1024x128xf32>
      %mul3A_238 = arith.mulf %tanh3A_229, %tanh3A_233 : vector<1024x128xf32>
      %add3A_239 = arith.addf %mul3A_238, %tanh3A_233 : vector<1024x128xf32>
      %add3A_240 = arith.addf %add3A_237, %add3A_239 : vector<1024x128xf32>
      %mul3A_241 = arith.constant 5.000000e-01 : f32
      %mul3A_242 = vector.broadcast %mul3A_241 : f32 to vector<1024x128xf32>
      %mul3A_243 = arith.mulf %mul3A_242, %add3A_240 : vector<1024x128xf32>
      %tanh3A_244 = math.tanh %mul3A_243 : vector<1024x128xf32>
      %mul3A_245 = arith.mulf %tanh3A_235, %tanh3A_244 : vector<1024x128xf32>
      %add3A_246 = arith.addf %mul3A_245, %tanh3A_244 : vector<1024x128xf32>
      %mul3A_247 = arith.constant 5.000000e-01 : f32
      %mul3A_248 = vector.broadcast %mul3A_247 : f32 to vector<1024x128xf32>
      %mul3A_249 = arith.mulf %mul3A_248, %add3A_246 : vector<1024x128xf32>
      %get3A_250 = arith.constant 0 : index
      %get3A_251 = arith.constant 0 : index
      %get3A_252 = vector.load %arg20[%get3A_250, %get3A_251] : memref<1024x128xf32, #tpu.memory_space<vmem>>, vector<1024x128xf32>
      %slice3A_253 = vector.extract_strided_slice %add3A_224 {offsets = [0, 0], sizes = [1024, 128], strides = [1, 1]} : vector<1024x512xf32> to vector<1024x128xf32>
      %tanh3A_254 = math.tanh %slice3A_253 : vector<1024x128xf32>
      %slice3A_255 = vector.extract_strided_slice %add3A_224 {offsets = [0, 128], sizes = [1024, 128], strides = [1, 1]} : vector<1024x512xf32> to vector<1024x128xf32>
      %tanh3A_256 = math.tanh %slice3A_255 : vector<1024x128xf32>
      %slice3A_257 = vector.extract_strided_slice %add3A_224 {offsets = [0, 256], sizes = [1024, 128], strides = [1, 1]} : vector<1024x512xf32> to vector<1024x128xf32>
      %tanh3A_258 = math.tanh %slice3A_257 : vector<1024x128xf32>
      %slice3A_259 = vector.extract_strided_slice %add3A_224 {offsets = [0, 384], sizes = [1024, 128], strides = [1, 1]} : vector<1024x512xf32> to vector<1024x128xf32>
      %tanh3A_260 = math.tanh %slice3A_259 : vector<1024x128xf32>
      %mul3A_261 = arith.mulf %tanh3A_256, %get3A_252 : vector<1024x128xf32>
      %add3A_262 = arith.addf %mul3A_261, %get3A_252 : vector<1024x128xf32>
      %mul3A_263 = arith.mulf %tanh3A_254, %tanh3A_258 : vector<1024x128xf32>
      %add3A_264 = arith.addf %mul3A_263, %tanh3A_258 : vector<1024x128xf32>
      %add3A_265 = arith.addf %add3A_262, %add3A_264 : vector<1024x128xf32>
      %mul3A_266 = arith.constant 5.000000e-01 : f32
      %mul3A_267 = vector.broadcast %mul3A_266 : f32 to vector<1024x128xf32>
      %mul3A_268 = arith.mulf %mul3A_267, %add3A_265 : vector<1024x128xf32>
      %tanh3A_269 = math.tanh %mul3A_268 : vector<1024x128xf32>
      %mul3A_270 = arith.mulf %tanh3A_260, %tanh3A_269 : vector<1024x128xf32>
      %add3A_271 = arith.addf %mul3A_270, %tanh3A_269 : vector<1024x128xf32>
      %mul3A_272 = arith.constant 5.000000e-01 : f32
      %mul3A_273 = vector.broadcast %mul3A_272 : f32 to vector<1024x128xf32>
      %mul3A_274 = arith.mulf %mul3A_273, %add3A_271 : vector<1024x128xf32>
      %convert_element_type3A_275 = arith.truncf %mul3A_249 : vector<1024x128xf32> to vector<1024x128xbf16>
      %swap3A_276 = arith.constant 0 : index
      %swap3A_277 = arith.constant 0 : index
      %swap3A_278 = vector.load %arg21[%swap3A_276, %swap3A_277] : memref<1024x128xbf16, #tpu.memory_space<vmem>>, vector<1024x128xbf16>
      tpu.vector_store %arg21[%swap3A_276, %swap3A_277], %convert_element_type3A_275 {strides = array<i32>} : memref<1024x128xbf16, #tpu.memory_space<vmem>>, vector<1024x128xbf16>,
      %convert_element_type3A_279 = arith.truncf %mul3A_274 : vector<1024x128xf32> to vector<1024x128xbf16>
      %swap3A_280 = arith.constant 0 : index
      %swap3A_281 = arith.constant 0 : index
      %swap3A_282 = vector.load %arg22[%swap3A_280, %swap3A_281] : memref<1024x128xbf16, #tpu.memory_space<vmem>>, vector<1024x128xbf16>
      tpu.vector_store %arg22[%swap3A_280, %swap3A_281], %convert_element_type3A_279 {strides = array<i32>} : memref<1024x128xbf16, #tpu.memory_space<vmem>>, vector<1024x128xbf16>,
      %swap3A_283 = arith.constant 0 : index
      %swap3A_284 = arith.constant 0 : index
      %swap3A_285 = vector.load %arg19[%swap3A_283, %swap3A_284] : memref<1024x128xf32, #tpu.memory_space<vmem>>, vector<1024x128xf32>
      tpu.vector_store %arg19[%swap3A_283, %swap3A_284], %mul3A_243 {strides = array<i32>} : memref<1024x128xf32, #tpu.memory_space<vmem>>, vector<1024x128xf32>,
      %swap3A_286 = arith.constant 0 : index
      %swap3A_287 = arith.constant 0 : index
      %swap3A_288 = vector.load %arg20[%swap3A_286, %swap3A_287] : memref<1024x128xf32, #tpu.memory_space<vmem>>, vector<1024x128xf32>
      tpu.vector_store %arg20[%swap3A_286, %swap3A_287], %mul3A_268 {strides = array<i32>} : memref<1024x128xf32, #tpu.memory_space<vmem>>, vector<1024x128xf32>,
    }
    %scan3A_34 = arith.constant 25 : i32
    %get3A = arith.constant 0 : index
    %get3A_35 = arith.constant 0 : index
    %get3A_36 = vector.load %arg21[%get3A, %get3A_35] : memref<1024x128xbf16, #tpu.memory_space<vmem>>, vector<1024x128xbf16>
    %convert_element_type3A = arith.extf %get3A_36 : vector<1024x128xbf16> to vector<1024x128xf32>
    %get3A_37 = arith.constant 0 : index
    %get3A_38 = arith.constant 0 : index
    %get3A_39 = vector.load %arg12[%get3A_37, %get3A_38] : memref<128x2xf32, #tpu.memory_space<vmem>>, vector<128x2xf32>
    %dot_general3A = arith.constant dense<0.000000e+00> : vector<1024x2xf32>
    %dot_general3A_40 = tpu.matmul %convert_element_type3A, %get3A_39, %dot_general3A {dimension_numbers = #tpu.dot_dimension_numbers<[1], [0], [0], [1], [0, 0, 1, 1], [], []>, transpose_lhs_hint = false} : vector<1024x128xf32>, vector<128x2xf32>, vector<1024x2xf32> -> vector<1024x2xf32>
    %get3A_41 = arith.constant 0 : index
    %get3A_42 = arith.constant 0 : index
    %get3A_43 = vector.load %arg22[%get3A_41, %get3A_42] : memref<1024x128xbf16, #tpu.memory_space<vmem>>, vector<1024x128xbf16>
    %convert_element_type3A_44 = arith.extf %get3A_43 : vector<1024x128xbf16> to vector<1024x128xf32>
    %get3A_45 = arith.constant 0 : index
    %get3A_46 = arith.constant 0 : index
    %get3A_47 = vector.load %arg13[%get3A_45, %get3A_46] : memref<128x2xf32, #tpu.memory_space<vmem>>, vector<128x2xf32>
    %dot_general3A_48 = arith.constant dense<0.000000e+00> : vector<1024x2xf32>
    %dot_general3A_49 = tpu.matmul %convert_element_type3A_44, %get3A_47, %dot_general3A_48 {dimension_numbers = #tpu.dot_dimension_numbers<[1], [0], [0], [1], [0, 0, 1, 1], [], []>, transpose_lhs_hint = false} : vector<1024x128xf32>, vector<128x2xf32>, vector<1024x2xf32> -> vector<1024x2xf32>
    %add3A = arith.addf %dot_general3A_40, %dot_general3A_49 : vector<1024x2xf32>
    %get3A_50 = arith.constant 0 : index
    %get3A_51 = arith.constant 0 : index
    %get3A_52 = vector.load %arg14[%get3A_50, %get3A_51] : memref<1x2xf32, #tpu.memory_space<vmem>>, vector<1x2xf32>
    %add3A_53 = vector.broadcast %get3A_52 : vector<1x2xf32> to vector<1024x2xf32>
    %add3A_54 = arith.addf %add3A, %add3A_53 : vector<1024x2xf32>
    %swap3A_55 = arith.constant 0 : index
    %swap3A_56 = arith.constant 0 : index
    %swap3A_57 = vector.load %arg15[%swap3A_55, %swap3A_56] : memref<1024x2xf32, #tpu.memory_space<vmem>>, vector<1024x2xf32>
    tpu.vector_store %arg15[%swap3A_55, %swap3A_56], %add3A_54 {strides = array<i32>} : memref<1024x2xf32, #tpu.memory_space<vmem>>, vector<1024x2xf32>,
    return
  }
  func.func @transform_0(%arg0: i32) -> (i32, i32, i32) {
    %c0_i32 = arith.constant 0 : i32
    %c0_i32_0 = arith.constant 0 : i32
    %c0_i32_1 = arith.constant 0 : i32
    return %c0_i32, %arg0, %c0_i32_0 : i32, i32, i32
  }
  func.func @transform_1(%arg0: i32) -> (i32, i32) {
    %c0_i32 = arith.constant 0 : i32
    %c0_i32_0 = arith.constant 0 : i32
    %c0_i32_1 = arith.constant 0 : i32
    return %c0_i32, %c0_i32_0 : i32, i32
  }
  func.func @transform_2(%arg0: i32) -> (i32, i32) {
    %c0_i32 = arith.constant 0 : i32
    %c0_i32_0 = arith.constant 0 : i32
    %c0_i32_1 = arith.constant 0 : i32
    return %c0_i32, %c0_i32_0 : i32, i32
  }
  func.func @transform_3(%arg0: i32) -> (i32, i32) {
    %c0_i32 = arith.constant 0 : i32
    %c0_i32_0 = arith.constant 0 : i32
    %c0_i32_1 = arith.constant 0 : i32
    return %c0_i32, %c0_i32_0 : i32, i32
  }
  func.func @transform_4(%arg0: i32) -> (i32, i32) {
    %c0_i32 = arith.constant 0 : i32
    %c0_i32_0 = arith.constant 0 : i32
    %c0_i32_1 = arith.constant 0 : i32
    return %c0_i32, %c0_i32_0 : i32, i32
  }
  func.func @transform_5(%arg0: i32) -> (i32, i32) {
    %c0_i32 = arith.constant 0 : i32
    %c0_i32_0 = arith.constant 0 : i32
    %c0_i32_1 = arith.constant 0 : i32
    return %c0_i32, %c0_i32_0 : i32, i32
  }
  func.func @transform_6(%arg0: i32) -> (i32, i32) {
    %c0_i32 = arith.constant 0 : i32
    %c0_i32_0 = arith.constant 0 : i32
    %c0_i32_1 = arith.constant 0 : i32
    return %c0_i32, %c0_i32_0 : i32, i32
  }
  func.func @transform_7(%arg0: i32) -> (i32, i32) {
    %c0_i32 = arith.constant 0 : i32
    %c0_i32_0 = arith.constant 0 : i32
    %c0_i32_1 = arith.constant 0 : i32
    return %c0_i32, %c0_i32_0 : i32, i32
  }
  func.func @transform_8(%arg0: i32) -> (i32, i32) {
    %c0_i32 = arith.constant 0 : i32
    %c0_i32_0 = arith.constant 0 : i32
    %c0_i32_1 = arith.constant 0 : i32
    return %c0_i32, %c0_i32_0 : i32, i32
  }
  func.func @transform_9(%arg0: i32) -> (i32, i32) {
    %c0_i32 = arith.constant 0 : i32
    %c0_i32_0 = arith.constant 0 : i32
    %c0_i32_1 = arith.constant 0 : i32
    return %c0_i32, %c0_i32_0 : i32, i32
  }
  func.func @transform_10(%arg0: i32) -> (i32, i32) {
    %c0_i32 = arith.constant 0 : i32
    %c0_i32_0 = arith.constant 0 : i32
    %c0_i32_1 = arith.constant 0 : i32
    return %c0_i32, %c0_i32_0 : i32, i32
  }
  func.func @transform_11(%arg0: i32) -> (i32, i32) {
    %c0_i32 = arith.constant 0 : i32
    %c0_i32_0 = arith.constant 0 : i32
    %c0_i32_1 = arith.constant 0 : i32
    return %c0_i32, %c0_i32_0 : i32, i32
  }
  func.func @transform_12(%arg0: i32) -> (i32, i32) {
    %c0_i32 = arith.constant 0 : i32
    %c0_i32_0 = arith.constant 0 : i32
    %c0_i32_1 = arith.constant 0 : i32
    return %c0_i32, %c0_i32_0 : i32, i32
  }
  func.func @transform_13(%arg0: i32) -> (i32, i32) {
    %c0_i32 = arith.constant 0 : i32
    %c0_i32_0 = arith.constant 0 : i32
    %c0_i32_1 = arith.constant 0 : i32
    return %c0_i32, %c0_i32_0 : i32, i32
  }
  func.func @transform_14(%arg0: i32) -> (i32, i32) {
    %c0_i32 = arith.constant 0 : i32
    %c0_i32_0 = arith.constant 0 : i32
    return %arg0, %c0_i32 : i32, i32
  }
}

</mosaic_0001>

<sc_bundles>
// kernel: kernel.5.cloned.1.call-start
scs
__scs_entry_jumppad:
0x0: {  	(pc) =	sbr.rel $0x88, $3  }
0x1: {  	(tag) =	ssettag $0x0;
	lr =	simm.s32 $0x1  }
0x2: {  	[smem:$0x3F8D] =	sst lr;
	_ =	strace $0xD0000000  }
0x3: {  	_ = 	snop  }
0x4: {  	_ = 	snop  }
0x5: {  	_ = 	snop  }
0x6: {  	_ = 	snop  }
0x7: {  	_ = 	snop  }
__scs_overlays_trampoline_lowered:
0x8: {  	[smem:$0x3F9C] =	sst s0  }
0x9: {  	[smem:$0x3F9D] =	sst s1  }
0xa: {  	[smem:$0x3F9E] =	sst s2  }
0xb: {  	[smem:$0x3F9F] =	sst s3  }
0xc: {  	[smem:$0x3FA0] =	sst s4  }
0xd: {  	[smem:$0x3FA1] =	sst s5  }
0xe: {  	[smem:$0x3FA2] =	sst s6  }
0xf: {  	[smem:$0x3FA3] =	sst s7  }
0x10: {  	[smem:$0x3FA4] =	sst s8  }
0x11: {  	[smem:$0x3FA5] =	sst s9;
	s0 =	simm.s32 @!p0 $0x0  }
0x12: {  	s1 =	sld [smem:$0x3F8B];
	s0 =	simm.s32 @p0 $0x1  }
0x13: {  	[smem:$0x3FA6] =	sst s0;
	s0 =	simm.s32 @!p1 $0x0  }
0x14: {  	s2 =	sld [smem:$0x3F8A];
	s0 =	simm.s32 @p1 $0x1  }
0x15: {  	[smem:$0x3FA7] =	sst s0;
	s0 =	simm.s32 @!p2 $0x0  }
0x16: {  	s3 =	sld [smem:$0x3FDB];
	s0 =	simm.s32 @p2 $0x1  }
0x17: {  	s4 =	simm.s32 $0x1BF5;
	[smem:$0x3FA9] =	sst s0  }
0x18: {  	s0 =	sld [smem:$0x3F8C];
	_ =	swait.ge [sflag:s4], $0x0  }
0x19: {  	s7 =	sld [smem:$0x3F8D]  }
0x1a: {  	s8 =	sadd.s32 $0xFFFFE003, lr  }
0x1b: {  	s9 =	sadd.s32 $0xFFFFFEF7, lr;
	s5 =	simm.s32 $0xFFFFFFFF;
	p2 =	slt.u32 s8, $0xFFFFF086  }
0x1c: {  	p1 =	slt.u32 s9, $0xF7A;
	s5 =	simm.s32 @!p2 $0x0  }
0x1d: {  	s5 =	simm.s32 @p1 $0x1;
	p0 =	seq.s32 s7, s2  }
0x1e: {  	s7 =	smul.u32 @!p0 $0xF7A, s2;
	p2 =	seq.s32 @!p0 s5, $0x0  }
0x1f: {  	s9 =	smul.u32 $0xF7A, s1;
	s8 =	simm.s32 @!p0 $0x1BF5;
	p2 =	por !p2, p0  }
0x20: {  	[sflag:s8] =	ssyncset.s32 @!p0 $0xFFFFF086;
	s6 =	sadd.s32 @!p0 s3, s7;
	s7 =	simm.s32 @!p0 $0x108  }
0x21: {  	s3 =	sadd.s32 s3, s9;
	s6 =	sadd.s32 @!p0 $0x88, s6;
	s7 =	simm.s32 @p2 $0x1082  }
0x22: {  	[simem:s7], [sflag:s8] =	dma.local @!p0 [hbm:s6], $0xF7A  }
0x23: {  	s9 =	sor.u32 $0xD0000000, s2;
	s6 =	simm.s32 $0x108;
	_ =	swait.ge @!p0 [sflag:s8], $0x0  }
0x24: {  	s3 =	sadd.s32 $0x88, s3;
	s6 =	simm.s32 @!p1 $0x1082;
	[sflag:s4] =	ssyncset.s32 $0xFFFFF086  }
0x25: {  	[simem:s6], [sflag:s4] =	dma.local [hbm:s3], $0xF7A  }
0x26: {  	[smem:$0x3F8D] =	sst s1;
	(tag) =	ssettag s2;
	_ =	strace s9  }
0x27: {  	s1 =	sld [smem:$0x3F9D]  }
0x28: {  	s2 =	sld [smem:$0x3F9E]  }
0x29: {  	s4 =	sld [smem:$0x3FA0]  }
0x2a: {  	p0 =	seq.s32 s5, $0x0;
	s5 =	sld [smem:$0x3FA1]  }
0x2b: {  	s6 =	sld [smem:$0x3FA2]  }
0x2c: {  	s7 =	sld [smem:$0x3FA3]  }
0x2d: {  	s3 =	simm.s32 $0x108;
	s8 =	sld [smem:$0x3FA4]  }
0x2e: {  	s3 =	simm.s32 @!p0 $0x1082;
	s9 =	sld [smem:$0x3FA5]  }
0x2f: {  	lr =	sadd.s32 s0, s3;
	s0 =	sld [smem:$0x3F9C]  }
0x30: {  	s3 =	sld [smem:$0x3F9F]  }
0x31: {  	[smem:$0x3FA8] =	sst s10  }
0x32: {  	s10 =	sld [smem:$0x3FA6];
	_ =	sdelay $0x3  }
0x33: {  	p0 =	seq.s32 s10, $0x1;
	s10 =	sld [smem:$0x3FA8];
	_ =	sdelay $0x3  }
0x34: {  	[smem:$0x3FA8] =	sst s10  }
0x35: {  	s10 =	sld [smem:$0x3FA7];
	_ =	sdelay $0x3  }
0x36: {  	p1 =	seq.s32 s10, $0x1;
	s10 =	sld [smem:$0x3FA8];
	_ =	sdelay $0x3  }
0x37: {  	[smem:$0x3FA8] =	sst s10  }
0x38: {  	s10 =	sld [smem:$0x3FA9]  }
0x39: {  	_ = 	snop;
	(pc) =	sbr.ind lr, $3  }
0x3a: {  	_ = 	snop  }
0x3b: {  	_ = 	snop  }
0x3c: {  	p2 =	seq.s32 s10, $0x1;
	s10 =	sld [smem:$0x3FA8]  }
0x3d: {  	_ =	shalt  }
0x3e: {  	_ =	shalt  }
0x3f: {  	_ =	shalt  }
0x40: {  	_ =	shalt  }
0x41: {  	_ =	shalt  }
0x42: {  	_ =	shalt  }
0x43: {  	_ =	shalt  }
0x44: {  	_ =	shalt  }
0x45: {  	_ =	shalt  }
0x46: {  	_ =	shalt  }
0x47: {  	_ =	shalt  }
0x48: {  	_ =	shalt  }
0x49: {  	_ =	shalt  }
0x4a: {  	_ =	shalt  }
0x4b: {  	_ =	shalt  }
0x4c: {  	_ =	shalt  }
0x4d: {  	_ =	shalt  }
0x4e: {  	_ =	shalt  }
0x4f: {  	_ =	shalt  }
0x50: {  	_ =	shalt  }
0x51: {  	_ =	shalt  }
0x52: {  	_ =	shalt  }
0x53: {  	_ =	shalt  }
0x54: {  	_ =	shalt  }
0x55: {  	_ =	shalt  }
0x56: {  	_ =	shalt  }
0x57: {  	_ =	shalt  }
0x58: {  	_ =	shalt  }
0x59: {  	_ =	shalt  }
0x5a: {  	_ =	shalt  }
0x5b: {  	_ =	shalt  }
0x5c: {  	_ =	shalt  }
0x5d: {  	_ =	shalt  }
0x5e: {  	_ =	shalt  }
0x5f: {  	_ =	shalt  }
0x60: {  	_ =	shalt  }
0x61: {  	_ =	shalt  }
0x62: {  	_ =	shalt  }
0x63: {  	_ =	shalt  }
0x64: {  	_ =	shalt  }
0x65: {  	_ =	shalt  }
0x66: {  	_ =	shalt  }
0x67: {  	_ =	shalt  }
0x68: {  	_ =	shalt  }
0x69: {  	_ =	shalt  }
0x6a: {  	_ =	shalt  }
0x6b: {  	_ =	shalt  }
0x6c: {  	_ =	shalt  }
0x6d: {  	_ =	shalt  }
0x6e: {  	_ =	shalt  }
0x6f: {  	_ =	shalt  }
0x70: {  	_ =	shalt  }
0x71: {  	_ =	shalt  }
0x72: {  	_ =	shalt  }
0x73: {  	_ =	shalt  }
0x74: {  	_ =	shalt  }
0x75: {  	_ =	shalt  }
0x76: {  	_ =	shalt  }
0x77: {  	_ =	shalt  }
0x78: {  	_ =	shalt  }
0x79: {  	_ =	shalt  }
0x7a: {  	_ =	shalt  }
0x7b: {  	_ =	shalt  }
0x7c: {  	_ =	shalt  }
0x7d: {  	_ =	shalt  }
0x7e: {  	_ =	shalt  }
0x7f: {  	_ =	shalt  }
0x80: {  	_ =	shalt  }
0x81: {  	_ =	shalt  }
0x82: {  	_ =	shalt  }
0x83: {  	_ =	shalt  }
0x84: {  	_ =	shalt  }
0x85: {  	_ =	shalt  }
0x86: {  	_ =	shalt  }
0x87: {  	_ =	shalt  }
.Lfunc_end0:
.L_simem_size_0:
called_computation_lowered:
.L_overlay_start_0:
0x88: {  	s2 =	sld [smem:$0x3FD9]  }
0x89: {  	s3 =	sld [smem:$0x3FFE];
	_ =	sdelay $0x1  }
0x8a: {  	s1 =	srdreg.scid  }
0x8b: {  	s0 =	sand.u32 $0x1, s1  }
0x8c: {  	s16 =	sshll.u32 s0, $0xA;
	s2 =	sadd.s32 s3, s2  }
0x8d: {  	s2 =	sadd.s32 s2, s16  }
0x8e: {  	[smem:$0x3FB4] =	sst s2  }
0x8f: {  	_ = 	snop  }
0x90: {  	(tm) =	ssettm $0x1  }
0x91: {  	s17 =	sld [smem:$0x3FFB];
	_ =	sdelay $0x3  }
0x92: {  	_ =	strace s17  }
0x93: {  	s2 =	sld [smem:$0x3FFC];
	_ =	sdelay $0x3  }
0x94: {  	_ =	strace s2  }
0x95: {  	s2 =	sld [smem:$0x3FFD];
	_ =	sdelay $0x3  }
0x96: {  	_ =	strace s2  }
0x97: {  	_ =	strace $0x8FFFFFFF  }
0x98: {  	s18 =	sld [smem:$0x3FDB];
	_ =	sdelay $0x1  }
0x99: {  	s19 =	simm.s32 $_scs_section_size  }
0x9a: {  	s4 =	simm.s32 $_size__tile_overlayer_lowered;
	s5 =	simm.s32 $_tile_overlayer_lowered  }
0x9b: {  	s22 =	simm.s32 $0x1BFF;
	s21 =	sshll.u32 s5, $0x1;
	s2 =	sadd.s32 s19, s18  }
0x9c: {  	s6 =	simm.s32 $0x0;
	s20 =	sshll.u32 s4, $0x1;
	s4 =	sadd.s32 s21, s2  }
0x9d: {  	[timem:s6], [sflag:s22] =	dma.local [hbm:s4], s20  }
0x9e: {  	_ =	swait.ge [sflag:s22], s20  }
0x9f: {  	s3 =	ssub.s32 $0x0, s20;
	[sflag:s22] =	ssyncset.done $0x0  }
0xa0: {  	[sflag:s22] =	ssyncadd.s32 s3;
	_ =	sdelay $0x1  }
0xa1: {  	s23 =	simm.s32 $0x1B8B  }
0xa2: {  	_ =	swait.ge [sflag:s23], $0x1  }
0xa3: {  	[sflag:s23] =	ssyncset.done $0x0  }
0xa4: {  	s25 =	simm.s32 $0x1B8E;
	s24 =	sld [smem:$0x3FFE];
	[sflag:s23] =	ssyncadd.s32 $0xFFFFFFFF  }
0xa5: {  	s26 =	simm.s32 $execute0_lowered;
	[smem:$0x3FD2] =	sst s25  }
0xa6: {  	s4 =	sshll.u32 s26, $0x1;
	_ =	strace $0x80000046;
	[dreg:$0x1] =	wrdreg $0xFFFFFFFF  }
0xa7: {  	s28 =	simm.s32 $_size_execute0_lowered;
	s2 =	sadd.s32 s2, s4;
	[dreg:$0x0] =	wrdreg $0x0  }
0xa8: {  	s4 =	sshll.u32 s28, $0x1;
	[dreg:$0x2] =	wrdreg s2  }
0xa9: {  	[dreg:$0x3] =	wrdreg s4  }
0xaa: {  	[dreg:$0x4] =	wrdreg $0xC0  }
0xab: {  	_ =	task [dreg:s6], $0x5FFFF  }
0xac: {  	[dreg:$0x1] =	wrdreg $0xFFFFFFFF  }
0xad: {  	[dreg:$0x0] =	wrdreg $0x60  }
0xae: {  	[dreg:$0x2] =	wrdreg s24  }
0xaf: {  	[dreg:$0x3] =	wrdreg $0x9  }
0xb0: {  	_ =	task.clear_ibuf [dreg:s6], $0x4FFFF;
	_ =	strace $0x90000046  }
0xb1: {  	s29 =	simm.s32 $0x9;
	_ =	strace $0x8000004F  }
0xb2: {  	_ =	swait.ge [sflag:s29], $0x1  }
0xb3: {  	[sflag:s29] =	ssyncadd.s32 $0xFFFFFFFF  }
0xb4: {  	_ =	strace $0x9000004F  }
0xb5: {  	_ =	sfence  }
0xb6: {  	s30 =	sld [smem:$0x0];
	_ =	sdelay $0x2  }
0xb7: {  	s31 =	sshll.u32 s1, $0xD;
	s1 =	sshrl.u32 s1, $0x2  }
0xb8: {  	s3 =	sand.u32 $0x4000, s31;
	s1 =	sadd.s32 s1, s30  }
0xb9: {  	s0 =	sor.u32 s3, s0;
	s1 =	sshll.u32 s1, $0x11  }
0xba: {  	s0 =	sor.u32 s1, s0  }
0xbb: {  	s0 =	sadd.s32 $0x8F2B, s0  }
0xbc: {  	[sflag:s0] =	ssyncadd.remote.s32 $0x1  }
0xbd: {  	_ =	sfence.sel $0xFFFF  }
0xbe: {  	[dreg:$0x0] =	wrdreg $0xFFFFFFFF;
	(pc) =	sbr.abs _section_cstart, $3  }
0xbf: {  	[dreg:$0x1] =	wrdreg $0xFFFFFFFF  }
0xc0: {  	_ =	task.clear_ibuf [dreg:s6], $0x2FFFF;
	_ =	strace $0x9FFFFFFF  }
0xc1: {  	(tm) =	ssettm $0x7FFFFFFF  }
tec
execute0_lowered:
.L_overlay_start_1:
0x0: {  	(tag) =	ssettag $0x1  }
0x1: {  	s5 =	rddreg [dreg:$0x0]  }
0x2: {  	s1 =	srdreg.scid;
	s0 =	rddreg [dreg:$0x1];
	s2 =	simm.s32 $0x0  }
0x3: {  	s10 =	simm.s32 $0x80;
	s11 =	simm.s32 $0x0;
	s7 =	sand.u32 $0x1, s1  }
0x4: {  	s1 =	stileid.u32;
	[smem:$0x7FF] =	sst s2;
	s3 =	sshll.u32 s7, $0x4  }
0x5: {  	s6 =	sadd.s32 $0x61F800, s5;
	_ =	strace $0x80000047;
	s3 =	sor.u32 s1, s3  }
0x6: {  	[dreg:$0x2] =	wrdreg s6;
	p0 =	seq.s32 s7, $0x0;
	s4 =	smul.u32 $0xC, s3  }
0x7: {  	s29 =	ssub.s32 $0x2, s7;
	[dreg:$0x3] =	wrdreg s10;
	s8 =	smul.u32 $0xD, s3  }
0x8: {  	s10 =	simm.s32 $0x5;
	s30 =	sshrl.u32 s29, $0x1;
	s3 =	sadd.s32 $0x10, s4  }
0x9: {  	s4 =	sadd.s32 $0x61DE00, s5;
	s5 =	sadd.s32 $0x3600, s5;
	s3 =	smov.u32 @p0 s8  }
0xa: {  	[dreg:$0x4] =	wrdreg s5;
	s8 =	ssub.s32 s29, s30;
	s9 =	sshll.u32 s3, $0x4  }
0xb: {  	s5 =	sxor.u32 $0xD, s7;
	s7 =	ssub.s32 $0xC, s7;
	s31 =	sand.u32 $0x1FFFFFF0, s9  }
0xc: {  	s8 =	smax.u32 s8, $0x1;
	s9 =	simm.s32 $0x1;
	s6 =	sadd.s32 s4, s31  }
.LBB2_1:
0xd: {  	_ =	strace $0x80000048;
	p2 =	sne.s32 s5, $0x1  }
.Ltmp0:
0xe: {  	p0 =	seq.s32 s5, $0x1;
	s13 =	simm.s32 $0x1;
	(pc) =	sbr.rel @!p2 .LBB2_2-.Ltmp0, $4  }
0xf: {  	[tilespmem:s2], [sflag:$0x1] =	stream.linear.gather [hbm4b:s6+s2], $0x80, $0x200038;
	[tilespmem:$0x8100] =	vst v63  }
0x10: {  	s12 =	simm.s32 $0x1;
	p1 =	por $0x1, $0x1;
	s13 =	simm.s32 @p0 $0x0  }
0x11: {  	p6 =	sgt.u32 s7, $0x0;
	p4 =	por p1, p1;
	p3 =	sne.s32 s13, $0x0  }
0x12: {  	_ =	strace $0x90000048;
	p5 =	por !p6, !p3;
	p6 =	por $0x0, $0x0  }
0x13: {  	p2 =	por !p5, !p5  }
0x14: {  	s21 =	sand.u32 $0x1, s2;
	s19 =	simm.s32 $0x2;
	s14 =	sadd.s32 @p2 s3, s13  }
0x15: {  	p1 =	por p3, p3;
	s15 =	sand.u32 @p2 $0x1, s9;
	s14 =	sshll.u32 @p2 s14, $0x4  }
0x16: {  	_ =	strace @p2 $0x80000049;
	s17 =	simm.s32 @p2 $0x0;
	s14 =	sand.u32 @p2 $0x1FFFFFF0, s14  }
0x17: {  	s16 =	sshll.u32 @p2 s15, $0x7;
	s15 =	sadd.s32 @p2 $0x1, s15;
	s14 =	sadd.s32 @p2 s4, s14  }
0x18: {  	[tilespmem:s16], [sflag:s15] =	stream.linear.gather @p2 [hbm4b:s14+s17], $0x80, $0x200038;
	[tilespmem:$0x8100] =	vst v63  }
0x19: {  	s30 =	simm.s32 $0x0;
	p6 =	por $0x0, $0x0;
	_ =	strace @p2 $0x90000049  }
0x1a: {  	p0 =	sne.s32 s5, $0x2;
	s29 =	sadd.s32 $0x1, s21;
	_ =	strace $0x8000004A  }
0x1b: {  	s24 =	sadd.s32 $0x0, s3;
	p5 =	sgt.u32 s7, $0x1;
	_ =	swait.ge [sflag:s29], $0x80  }
0x1c: {  	s23 =	simm.s32 $0x1;
	s22 =	sshll.u32 s21, $0xE;
	[sflag:s29] =	ssyncset.done $0x0  }
0x1d: {  	s22 =	sor.u32 $0x100, s22;
	s16 =	sand.u32 @!p4 $0x1, s2;
	[sflag:s29] =	ssyncadd.s32 $0xFFFFFF80  }
0x1e: {  	s15 =	simm.s32 $0x1;
	s17 =	sadd.s32 $0x1, s13;
	_ =	strace $0x9000004A  }
0x1f: {  	s14 =	sand.u32 $0x80, s30;
	s15 =	simm.s32 @!p2 $0x0;
	_ =	strace $0x8000004B  }
0x20: {  	p2 =	por p4, p4;
	p4 =	por p6, p6;
	s20 =	rddreg [dreg:$0x3]  }
0x21: {  	p3 =	seq.s32 s17, s5;
	p6 =	seq.s32 s7, $0x0;
	s31 =	rddreg [dreg:$0x2]  }
0x22: {  	[tilespmem:s22], [sflag:$0x5] =	stream.indirect.gather [hbm4b:s31+s20], $0x80, s14, s20, $0x2000b8;
	[tilespmem:$0x8100] =	vst v63  }
.Ltmp1:
0x23: {  	s18 =	sadd.s32 $0x1, s15;
	s17 =	simm.s32 @p3 $0x0;
	(pc) =	sbr.rel @!p0 .LBB2_4-.Ltmp1, $4  }
0x24: {  	p1 =	por p6, p1;
	p6 =	por $0x0, $0x0;
	_ =	swait.ge [sflag:s10], $0x4000  }
0x25: {  	s15 =	simm.s32 $0x0;
	p3 =	sne.s32 s13, s17;
	[sflag:s10] =	ssyncset.done $0x0  }
0x26: {  	s23 =	simm.s32 @!p6 $0x0;
	p5 =	por !p5, !p3;
	[sflag:s10] =	ssyncadd.s32 $0xFFFFC000  }
0x27: {  	s14 =	simm.s32 $0x0;
	s20 =	simm.s32 $0x0;
	_ =	strace $0x9000004B  }
.LBB2_5:
0x28: {  	_ =	strace @p1 $0x8000004C;
	s14 =	sadd.s32 s23, s14;
	s23 =	smov.u32 s12  }
0x29: {  	s12 =	smov.u32 s19;
	s19 =	sadd.s32 $0x1, s19;
	p0 =	por p3, p3  }
0x2a: {  	s29 =	sshll.u32 @p1 s24, $0xB;
	s21 =	sadd.s32 @p1 $0x3, s21;
	s25 =	simm.s32 @!p0 $0x0  }
0x2b: {  	s26 =	rddreg [dreg:$0x4];
	s29 =	sand.u32 @p1 $0x1FFFF800, s29;
	s25 =	simm.s32 @p0 $0x1  }
0x2c: {  	s26 =	sadd.s32 @p1 s26, s29;
	s29 =	simm.s32 @p1 $0x0;
	p0 =	sne.s32 s5, s19  }
0x2d: {  	[hbm4b:s26+s29] =	stream.linear.scatter @p1 [tilespmem:s22], [sflag:s21], $0x4000, $0x200038;
	[tilespmem:$0x8100] =	vst v63  }
0x2e: {  	s21 =	sadd.s32 @!p2 $0x3, s16;
	s16 =	simm.s32 @!p0 $0x0  }
0x2f: {  	s28 =	simm.s32 $0x1;
	[smem:$0x7FC] =	sst s25;
	s16 =	simm.s32 @p0 $0x1  }
0x30: {  	s28 =	simm.s32 @!p1 $0x0;
	_ =	strace @p1 $0x9000004C;
	[smem:$0x7FD] =	sst s16  }
0x31: {  	s20 =	sadd.s32 s28, s20;
	s25 =	sand.u32 @!p4 $0x1, s14;
	_ =	strace @!p2 $0x8000004D  }
0x32: {  	p1 =	por !p5, !p5;
	s16 =	smov.u32 s25;
	_ =	swait.ge @!p2 [sflag:s21], $0x4000  }
0x33: {  	s22 =	sand.u32 @p1 $0x1, s18;
	s25 =	sadd.s32 @p1 s3, s17;
	[sflag:s21] =	ssyncset.done @!p2 $0x0  }
0x34: {  	s26 =	sshll.u32 @p1 s22, $0x7;
	s25 =	sshll.u32 @p1 s25, $0x4;
	[sflag:s21] =	ssyncadd.s32 @!p2 $0xFFFFC000  }
0x35: {  	s21 =	sadd.s32 @p1 $0x1, s22;
	s22 =	sand.u32 @p1 $0x1FFFFFF0, s25;
	_ =	strace @!p2 $0x9000004D  }
0x36: {  	s25 =	simm.s32 @p1 $0x0;
	s22 =	sadd.s32 @p1 s4, s22;
	_ =	strace @p1 $0x80000049  }
0x37: {  	[tilespmem:s26], [sflag:s21] =	stream.linear.gather @p1 [hbm4b:s22+s25], $0x80, $0x200038;
	[tilespmem:$0x8100] =	vst v63  }
0x38: {  	s15 =	sadd.s32 s28, s15;
	s28 =	sand.u32 $0x1, s20;
	_ =	strace @p1 $0x90000049  }
0x39: {  	s28 =	sadd.s32 $0x1, s28;
	_ =	strace $0x8000004A  }
0x3a: {  	_ =	swait.ge [sflag:s28], $0x80  }
0x3b: {  	[sflag:s28] =	ssyncset.done $0x0  }
0x3c: {  	s21 =	simm.s32 $0x1;
	[sflag:s28] =	ssyncadd.s32 $0xFFFFFF80  }
0x3d: {  	s21 =	simm.s32 @!p1 $0x0;
	_ =	strace $0x9000004A  }
0x3e: {  	s18 =	sadd.s32 s21, s18;
	s21 =	sand.u32 $0x1, s15;
	_ =	strace $0x8000004B  }
0x3f: {  	s31 =	sshll.u32 s20, $0x7;
	s29 =	sshll.u32 s21, $0xE;
	s25 =	rddreg [dreg:$0x3]  }
0x40: {  	s31 =	sand.u32 $0x80, s31;
	s22 =	sor.u32 $0x100, s29;
	s26 =	rddreg [dreg:$0x2]  }
0x41: {  	[tilespmem:s22], [sflag:$0x5] =	stream.indirect.gather [hbm4b:s26+s25], $0x80, s31, s25, $0x2000b8;
	[tilespmem:$0x8100] =	vst v63  }
0x42: {  	_ =	swait.ge [sflag:s10], $0x4000  }
0x43: {  	[sflag:s10] =	ssyncset.done $0x0  }
0x44: {  	[sflag:s10] =	ssyncadd.s32 $0xFFFFC000  }
0x45: {  	s30 =	sadd.s32 $0x1, s17;
	_ =	strace $0x9000004B  }
0x46: {  	s24 =	sadd.s32 s3, s13;
	s13 =	smov.u32 s17;
	s31 =	sld [smem:$0x7FD]  }
0x47: {  	p0 =	sne.s32 s23, $0x0;
	s17 =	smov.u32 s30;
	p1 =	seq.s32 s30, s5  }
0x48: {  	s17 =	simm.s32 @p1 $0x0;
	p1 =	seq.s32 s7, s23;
	s23 =	simm.s32 $0x1  }
0x49: {  	s23 =	simm.s32 @!p0 $0x0;
	p0 =	seq.s32 s31, $0x1  }
.Ltmp2:
0x4a: {  	s30 =	sld [smem:$0x7FC];
	(pc) =	sbr.rel @p0 .LBB2_5-.Ltmp2, $4  }
0x4b: {  	p3 =	seq.s32 s12, $0x0  }
0x4c: {  	p6 =	por p3, p3;
	p5 =	slt.u32 s12, s7  }
0x4d: {  	p2 =	por p4, p4;
	p3 =	sne.s32 s13, s17;
	p4 =	seq.s32 s30, $0x1  }
0x4e: {  	p5 =	por !p5, !p3;
	p1 =	por p1, p4;
	p4 =	por p6, p6  }
0x4f: {  	p6 =	por $0x1, $0x1  }
.LBB2_7:
0x50: {  	p0 =	por !p1, !p6  }
0x51: {  	s25 =	simm.s32 $0x1;
	_ =	strace @!p0 $0x8000004C;
	s24 =	sshll.u32 @!p0 s24, $0xB  }
0x52: {  	p2 =	por p2, !p6;
	s19 =	rddreg [dreg:$0x4];
	s24 =	sand.u32 @!p0 $0x1FFFF800, s24  }
0x53: {  	s21 =	sadd.s32 @!p0 $0x3, s21;
	s19 =	sadd.s32 @!p0 s19, s24;
	s24 =	simm.s32 @!p0 $0x0  }
0x54: {  	[hbm4b:s19+s24] =	stream.linear.scatter @!p0 [tilespmem:s22], [sflag:s21], $0x4000, $0x200038;
	[tilespmem:$0x8100] =	vst v63  }
0x55: {  	p1 =	por !p5, !p5;
	s25 =	simm.s32 @p0 $0x0;
	_ =	strace @!p0 $0x9000004C  }
0x56: {  	s16 =	sadd.s32 @!p2 $0x3, s16;
	s17 =	sadd.s32 @p1 s3, s17;
	_ =	strace @!p2 $0x8000004D  }
0x57: {  	s18 =	sand.u32 @p1 $0x1, s18;
	s17 =	sshll.u32 @p1 s17, $0x4;
	_ =	swait.ge @!p2 [sflag:s16], $0x4000  }
0x58: {  	s17 =	sand.u32 @p1 $0x1FFFFFF0, s17;
	s19 =	sadd.s32 @p6 s25, s20;
	[sflag:s16] =	ssyncset.done @!p2 $0x0  }
0x59: {  	s20 =	simm.s32 $0x0;
	s17 =	sadd.s32 @p1 s4, s17;
	[sflag:s16] =	ssyncadd.s32 @!p2 $0xFFFFC000  }
0x5a: {  	s20 =	smov.u32 @p6 s19;
	s19 =	sshll.u32 @p1 s18, $0x7;
	_ =	strace @!p2 $0x9000004D  }
0x5b: {  	s16 =	sadd.s32 @p1 $0x1, s18;
	s18 =	simm.s32 @p1 $0x0;
	_ =	strace @p1 $0x80000049  }
0x5c: {  	[tilespmem:s19], [sflag:s16] =	stream.linear.gather @p1 [hbm4b:s17+s18], $0x80, $0x200038;
	[tilespmem:$0x8100] =	vst v63  }
0x5d: {  	s26 =	sand.u32 $0x1, s20;
	_ =	strace @p1 $0x90000049  }
0x5e: {  	s16 =	sadd.s32 $0x1, s26;
	_ =	strace $0x8000004A  }
0x5f: {  	_ =	swait.ge [sflag:s16], $0x80  }
0x60: {  	[sflag:s16] =	ssyncset.done $0x0  }
0x61: {  	s15 =	sadd.s32 @p6 s25, s15;
	[sflag:s16] =	ssyncadd.s32 $0xFFFFFF80;
	s16 =	simm.s32 $0x0  }
0x62: {  	_ =	strace $0x9000004A;
	s16 =	smov.u32 @p6 s15  }
0x63: {  	_ =	strace $0x8000004B;
	s16 =	sand.u32 $0x1, s16  }
0x64: {  	s30 =	sshll.u32 s20, $0x7;
	s28 =	rddreg [dreg:$0x3];
	s31 =	sshll.u32 s16, $0xE  }
0x65: {  	s18 =	sand.u32 $0x80, s30;
	s29 =	rddreg [dreg:$0x2];
	s19 =	sor.u32 $0x100, s31  }
0x66: {  	[tilespmem:s19], [sflag:$0x5] =	stream.indirect.gather [hbm4b:s29+s28], $0x80, s18, s28, $0x2000b8;
	[tilespmem:$0x8100] =	vst v63  }
0x67: {  	_ =	swait.ge [sflag:s10], $0x4000  }
0x68: {  	p3 =	por p3, p3;
	[sflag:s10] =	ssyncset.done $0x0  }
0x69: {  	p5 =	seq.s32 s7, s12;
	s13 =	sadd.s32 s3, s13;
	[sflag:s10] =	ssyncadd.s32 $0xFFFFC000  }
0x6a: {  	s14 =	sadd.s32 @p6 s23, s14;
	p1 =	por p5, p3;
	_ =	strace $0x9000004B  }
0x6b: {  	s17 =	simm.s32 $0x0;
	s13 =	sshll.u32 @p1 s13, $0xB;
	_ =	strace @p1 $0x8000004C  }
0x6c: {  	s17 =	smov.u32 @p6 s14;
	s13 =	sand.u32 @p1 $0x1FFFF800, s13;
	s15 =	rddreg [dreg:$0x4]  }
0x6d: {  	s14 =	sadd.s32 @p1 $0x3, s16;
	s13 =	sadd.s32 @p1 s15, s13;
	s15 =	simm.s32 @p1 $0x0  }
0x6e: {  	[hbm4b:s13+s15] =	stream.linear.scatter @p1 [tilespmem:s19], [sflag:s14], $0x4000, $0x200038;
	[tilespmem:$0x8100] =	vst v63  }
0x6f: {  	p0 =	por p4, p4;
	s13 =	sand.u32 @!p4 $0x1, s17;
	_ =	strace @p1 $0x9000004C  }
0x70: {  	s13 =	sadd.s32 @!p0 $0x3, s13;
	_ =	strace @!p0 $0x8000004D  }
0x71: {  	p1 =	sne.s32 s12, $0x0;
	s12 =	simm.s32 $0x1;
	_ =	swait.ge @!p0 [sflag:s13], $0x4000  }
0x72: {  	s12 =	simm.s32 @!p1 $0x0;
	[sflag:s13] =	ssyncset.done @!p0 $0x0  }
0x73: {  	s11 =	sadd.s32 $0x1, s11;
	s12 =	sadd.s32 s12, s17;
	[sflag:s13] =	ssyncadd.s32 @!p0 $0xFFFFC000  }
0x74: {  	s12 =	sand.u32 $0x1, s12;
	_ =	strace @!p0 $0x9000004D;
	p0 =	sne.s32 s11, s8  }
.Ltmp3:
0x75: {  	s12 =	sadd.s32 $0x3, s12;
	_ =	strace $0x8000004E;
	(pc) =	sbr.rel @p0 .LBB2_1-.Ltmp3, $4  }
.Ltmp4:
0x76: {  	_ =	swait.ge [sflag:s12], $0x4000;
	(pc) =	sbr.rel @!p0 .LBB2_8-.Ltmp4, $4  }
0x77: {  	[sflag:s12] =	ssyncset.done $0x0  }
0x78: {  	[sflag:s12] =	ssyncadd.s32 $0xFFFFC000  }
0x79: {  	_ =	strace $0x9000004E  }
0x7a: {  	_ = 	snop  }
.LBB2_2:
.Ltmp5:
0x7b: {  	(pc) =	sbr.rel .LBB2_7-.Ltmp5, $4  }
0x7c: {  	_ = 	snop  }
0x7d: {  	s14 =	simm.s32 $0x0  }
0x7e: {  	s12 =	simm.s32 $0x0;
	s15 =	simm.s32 $0x0;
	s17 =	smov.u32 s13  }
0x7f: {  	s20 =	simm.s32 $0x0;
	s18 =	simm.s32 $0x1;
	s13 =	simm.s32 $0x0  }
.LBB2_4:
.Ltmp6:
0x80: {  	(pc) =	sbr.rel .LBB2_7-.Ltmp6, $3  }
0x81: {  	_ =	sdelay $0x1  }
0x82: {  	s14 =	simm.s32 $0x0  }
0x83: {  	s15 =	simm.s32 $0x0;
	s20 =	simm.s32 $0x0;
	p6 =	por $0x1, $0x1  }
.LBB2_8:
0x84: {  	_ =	sfence.sel $0x180000  }
0x85: {  	[bflag:$0x0] =	sbarrier.arrive $0xFFFF  }
0x86: {  	p0 =	sne.s32 s1, $0x0;
	_ =	strace $0x90000047  }
0x87: {  	s0 =	sadd.s32 @!p0 $0x100000, s0;
	[bflag:$0x2] =	sbarrier.arrive $0xFFFF  }
0x88: {  	[sflag:s0] =	ssyncadd.tile.s32 @!p0 $0x1;
	_ =	shalt  }
.Lfunc_end2:
_tile_overlayer_lowered:
.L_overlay_start_2:
0x89: {  	(tag) =	ssettag $0x2  }
0x8a: {  	s0 =	rddreg [dreg:$0x0];
	s2 =	stileid.u32  }
0x8b: {  	s1 =	rddreg [dreg:$0x1];
	p0 =	sne.s32 s2, $0x0  }
0x8c: {  	s3 =	rddreg [dreg:$0x2];
	[bflag:$0x3] =	sbarrier.arrive $0xFFFF;
	s2 =	simm.s32 @!p0 $0x1C01  }
0x8d: {  	[timem:s3], [sflag:s2] =	dma.local @!p0 [hbm:s0], s1  }
0x8e: {  	s0 =	simm.s32 @!p0 $0x1  }
0x8f: {  	_ =	swait.ge @!p0 [sflag:s0], s1  }
0x90: {  	s1 =	ssub.s32 @!p0 $0x0, s1;
	[sflag:s0] =	ssyncset.done @!p0 $0x0  }
0x91: {  	[sflag:s0] =	ssyncadd.s32 @!p0 s1  }
0x92: {  	[bflag:$0x3] =	sbarrier.arrive $0xFFFF  }
0x93: {  	_ =	shalt  }

</sc_bundles>
